<compile_context>
chip_gen: v7x
topology: tpu7x:2x2x1
jax: 0.10.2.dev20260603
libtpu: 0.0.44.dev20260713+nightly
codegen_flags: <defaults>
</compile_context>

<pallas_src>
import functools

import jax
import jax.numpy as jnp
from jax import lax
from jax.experimental import pallas as pl
from jax.experimental.pallas import tpu as pltpu
from jax.experimental.pallas import tpu_sc as plsc

_NUM_WORKERS = 32
_R = 20
_B = 16384 * 20
_D = 64
_ROWS_W = 16384 // _NUM_WORKERS
_PER_W = _ROWS_W * _R
_GPS = 8
_SLOT = _GPS * _R
_NSLOT = _PER_W // _SLOT
_NBUF = 4
_K = 2
_S = _NSLOT // _NBUF


@functools.partial(
    pl.kernel,
    out_type=jax.ShapeDtypeStruct((_B, _D), jnp.float32),
    mesh=plsc.VectorSubcoreMesh(core_axis_name="c", subcore_axis_name="s"),
    scratch_types=[
        pltpu.VMEM((_ROWS_W, _R), jnp.int32),
        pltpu.VMEM((_NBUF, _SLOT, 128), jnp.float32),
        pltpu.SemaphoreType.DMA((_NBUF,)),
        pltpu.SemaphoreType.DMA((_NBUF,)),
    ],
    compiler_params=pltpu.CompilerParams(use_tc_tiling_on_sc=False),
)
def _gather_kernel(idx_hbm, table_hbm, out_hbm, idx_v, bufs, gsem, osem):
    wid = lax.axis_index("s") * 2 + lax.axis_index("c")
    base = wid * _PER_W
    pltpu.sync_copy(idx_hbm.at[pl.ds(wid * _ROWS_W, _ROWS_W)], idx_v)

    def out_slice(c):
        return out_hbm.at[pl.ds(base + c * _SLOT, _SLOT)]

    def fire_gathers(g, b):
        @pl.loop(0, _GPS)
        def _g(q):
            pltpu.async_copy(table_hbm.at[idx_v.at[g * _GPS + q]],
                             bufs.at[b, pl.ds(q * _R, _R)], gsem.at[b])

    def wait_gathers(b):
        pltpu.make_async_copy(table_hbm.at[pl.ds(0, _SLOT)], bufs.at[b],
                              gsem.at[b]).wait()

    @pl.loop(0, _S)
    def _super(s):
        for b in range(_NBUF):
            g = s * _NBUF + b

            @pl.when(s > 0)
            def _():
                pltpu.make_async_copy(bufs.at[b, pl.ds(0, _SLOT), pl.ds(0, _D)],
                                      out_slice(g - _NBUF), osem.at[b]).wait()

            fire_gathers(g, b)

            bk = (b - _K) % _NBUF
            c = g - _K

            @pl.when(c >= 0)
            def _():
                wait_gathers(bk)
                pltpu.async_copy(bufs.at[bk, pl.ds(0, _SLOT), pl.ds(0, _D)],
                                 out_slice(c), osem.at[bk])

    for c in range(_NSLOT - _K, _NSLOT):
        b = c % _NBUF
        wait_gathers(b)
        pltpu.async_copy(bufs.at[b, pl.ds(0, _SLOT), pl.ds(0, _D)],
                         out_slice(c), osem.at[b])
    for c in range(_NSLOT - _NBUF, _NSLOT):
        b = c % _NBUF
        pltpu.make_async_copy(bufs.at[b, pl.ds(0, _SLOT), pl.ds(0, _D)],
                              out_slice(c), osem.at[b]).wait()


_TC_CB = 16384
_TC_GRID = (1000000 + _TC_CB - 1) // _TC_CB
_NROW2 = _TC_GRID * _TC_CB


def _transpose_body(wt_ref, out_ref):
    y = wt_ref[...].T
    out_ref[...] = jnp.concatenate([y, y], axis=1)


def _detile_table(weight):
    wt = weight.T
    return pl.pallas_call(
        _transpose_body,
        grid=(_TC_GRID,),
        in_specs=[pl.BlockSpec((_D, _TC_CB), lambda i: (0, i))],
        out_specs=pl.BlockSpec((_TC_CB, 128), lambda i: (i, 0)),
        out_shape=jax.ShapeDtypeStruct((_NROW2, 128), jnp.float32),
    )(wt)


def kernel(embed_id, weight):
    w2 = _detile_table(weight)
    out = _gather_kernel(embed_id, w2)
    return out.reshape(16384, 20, _D)

# --- scband reference (transcript-rebuilt; emitter-appended) ---
"""Pipeline reference for scband-embedding-ema-1614907703804 (READ-ONLY COPY).

The authoritative reference and input builder live on the scoring server;
editing this copy changes nothing except your own understanding.
"""

import jax, jax.numpy as jnp
import numpy as np

NUM_TOKENS = 1000000
CODEBOOK_DIM = 64

def l2norm(t):
    return t / jnp.linalg.norm(t, axis=-1, keepdims=True)

def setup_inputs(seed: int = 0) -> dict:
    key = jax.random.key(seed)
    k1, k2 = jax.random.split(key)
    embed_id = jax.random.randint(k1, (16384, 20), 0, NUM_TOKENS, dtype=jnp.int64 if jax.config.jax_enable_x64 else jnp.int32)
    weight = jax.random.normal(k2, (NUM_TOKENS, CODEBOOK_DIM), dtype=jnp.float32)
    weight = l2norm(weight)
    return {"embed_id": embed_id, "weight": weight}

def reference(embed_id, weight):
    # F.embedding(embed_id, weight) -> gather rows of weight
    return jnp.take(weight, embed_id, axis=0)

if __name__ == "__main__":
    import jax
    _d = setup_inputs()
    print(jax.jit(kernel)(*tuple(_d.values())))

</pallas_src>

<mosaic_0001>
#map = affine_map<(d0, d1) -> (0, 0)>
module attributes {stable_mosaic.version = 14 : i64} {
  func.func @_gather_kernel(%arg0: i32, %arg1: i32, %arg2: memref<16384x20xi32, #tpu.memory_space<hbm>>, %arg3: memref<1015808x128xf32, #tpu.memory_space<hbm>>, %arg4: memref<327680x64xf32, #tpu.memory_space<hbm>>, %arg5: memref<512x20xi32, #tpu.memory_space<vmem>>, %arg6: memref<4x160x128xf32, #tpu.memory_space<vmem>>, %arg7: memref<4x!tpu.dma_semaphore, #tpu.memory_space<semaphore_mem>>, %arg8: memref<4x!tpu.dma_semaphore, #tpu.memory_space<semaphore_mem>>) attributes {dimension_semantics = [#tpu.dimension_semantics<core_parallel>, #tpu.dimension_semantics<subcore_parallel>], iteration_bounds = array<i64: 2, 16>, scalar_prefetch = 0 : i64, scratch_operands = 4 : i64, tpu.core_type = #tpu.core_type<sc_vector_subcore>, window_params = [{transform_indices = #map}, {transform_indices = #map}, {transform_indices = #map}]} {
    %mul3A = arith.constant 2 : i32
    %mul3A_0 = arith.muli %arg1, %mul3A : i32
    %add3A = arith.addi %mul3A_0, %arg0 : i32
    %mul3A_1 = arith.constant 10240 : i32
    %mul3A_2 = arith.muli %add3A, %mul3A_1 : i32
    %mul3A_3 = arith.constant 512 : i32
    %mul3A_4 = arith.muli %add3A, %mul3A_3 : i32
    "tpu.region"() ({
      %run_scoped3A = tpu.sem_alloc : memref<!tpu.dma_semaphore, #tpu.memory_space<semaphore_mem>>
      %dma_start3A_151 = arith.constant 0 : i32
      %dma_start3A_152 = tpu.memref_slice %arg2[%mul3A_4, %dma_start3A_151] : memref<16384x20xi32, #tpu.memory_space<hbm>> -> memref<512x20xi32, #tpu.memory_space<hbm>>
      %dma_start3A_153 = arith.constant 0 : i32
      %dma_start3A_154 = tpu.memref_slice %arg2[%mul3A_4, %dma_start3A_153] : memref<16384x20xi32, #tpu.memory_space<hbm>> -> memref<512x20xi32, #tpu.memory_space<hbm>>
      tpu.enqueue_dma source(%dma_start3A_154 : memref<512x20xi32, #tpu.memory_space<hbm>>) target(%arg5 : memref<512x20xi32, #tpu.memory_space<vmem>>) target_semaphore(%run_scoped3A : memref<!tpu.dma_semaphore, #tpu.memory_space<semaphore_mem>>)
      %dma_wait3A_155 = arith.constant 0 : i32
      %dma_wait3A_156 = tpu.memref_slice %arg2[%mul3A_4, %dma_wait3A_155] : memref<16384x20xi32, #tpu.memory_space<hbm>> -> memref<512x20xi32, #tpu.memory_space<hbm>>
      %dma_wait3A_157 = arith.constant 0 : i32
      %dma_wait3A_158 = tpu.memref_slice %arg2[%mul3A_4, %dma_wait3A_157] : memref<16384x20xi32, #tpu.memory_space<hbm>> -> memref<512x20xi32, #tpu.memory_space<hbm>>
      tpu.wait_dma2 semaphore(%run_scoped3A : memref<!tpu.dma_semaphore, #tpu.memory_space<semaphore_mem>>) src(%dma_wait3A_158 : memref<512x20xi32, #tpu.memory_space<hbm>>) dst(%arg5 : memref<512x20xi32, #tpu.memory_space<vmem>>)
      tpu.yield
    }) : () -> ()
    %scan3A = arith.constant 0 : i32
    %scan3A_5 = arith.constant 16 : i32
    %scan3A_6 = arith.addi %scan3A, %scan3A_5 : i32
    %scan3A_7 = arith.constant 1 : i32
    scf.for %scan3A_151 = %scan3A to %scan3A_6 step %scan3A_7  : i32 {
      %mul3A_152 = arith.constant 1 : i32
      %mul3A_153 = arith.muli %scan3A_151, %mul3A_152 : i32
      %add3A_154 = arith.constant 0 : i32
      %add3A_155 = arith.addi %add3A_154, %mul3A_153 : i32
      %mul3A_156 = arith.constant 4 : i32
      %mul3A_157 = arith.muli %add3A_155, %mul3A_156 : i32
      %add3A_158 = arith.constant 0 : i32
      %add3A_159 = arith.addi %mul3A_157, %add3A_158 : i32
      %gt3A = arith.constant 0 : i32
      %gt3A_160 = arith.cmpi sgt, %add3A_155, %gt3A : i32
      %convert_element_type3A = arith.extui %gt3A_160 : i1 to i32
      %cond3A = arith.constant 0 : i32
      %cond3A_161 = arith.cmpi ne, %convert_element_type3A, %cond3A : i32
      scf.if %cond3A_161 {
        %sub3A_235 = arith.constant 4 : i32
        %sub3A_236 = arith.subi %add3A_159, %sub3A_235 : i32
        %mul3A_237 = arith.constant 160 : i32
        %mul3A_238 = arith.muli %sub3A_236, %mul3A_237 : i32
        %add3A_239 = arith.addi %mul3A_2, %mul3A_238 : i32
        %dma_wait3A_240 = arith.constant 0 : i32
        %dma_wait3A_241 = arith.constant 0 : i32
        %dma_wait3A_242 = arith.constant 0 : i32
        %dma_wait3A_243 = arith.constant 0 : i32
        %dma_wait3A_244 = tpu.memref_slice %arg6[%dma_wait3A_240, %dma_wait3A_242, %dma_wait3A_243] : memref<4x160x128xf32, #tpu.memory_space<vmem>> -> memref<1x160x64xf32, #tpu.memory_space<vmem>>
        %dma_wait3A_245 = tpu.memref_squeeze %dma_wait3A_244 : memref<1x160x64xf32, #tpu.memory_space<vmem>> -> memref<160x64xf32, #tpu.memory_space<vmem>>
        %dma_wait3A_246 = arith.constant 0 : i32
        %dma_wait3A_247 = tpu.memref_slice %arg4[%add3A_239, %dma_wait3A_246] : memref<327680x64xf32, #tpu.memory_space<hbm>> -> memref<160x64xf32, #tpu.memory_space<hbm>>
        %dma_wait3A_248 = tpu.memref_slice %arg8[%dma_wait3A_241] : memref<4x!tpu.dma_semaphore, #tpu.memory_space<semaphore_mem>> -> memref<1x!tpu.dma_semaphore, #tpu.memory_space<semaphore_mem>>
        %dma_wait3A_249 = tpu.memref_squeeze %dma_wait3A_248 : memref<1x!tpu.dma_semaphore, #tpu.memory_space<semaphore_mem>> -> memref<!tpu.dma_semaphore, #tpu.memory_space<semaphore_mem>>
        %dma_wait3A_250 = arith.constant 0 : i32
        %dma_wait3A_251 = tpu.memref_slice %arg4[%add3A_239, %dma_wait3A_250] : memref<327680x64xf32, #tpu.memory_space<hbm>> -> memref<160x64xf32, #tpu.memory_space<hbm>>
        %dma_wait3A_252 = arith.constant 0 : i32
        %dma_wait3A_253 = arith.constant 0 : i32
        %dma_wait3A_254 = tpu.memref_slice %arg6[%dma_wait3A_240, %dma_wait3A_252, %dma_wait3A_253] : memref<4x160x128xf32, #tpu.memory_space<vmem>> -> memref<1x160x64xf32, #tpu.memory_space<vmem>>
        %dma_wait3A_255 = tpu.memref_squeeze %dma_wait3A_254 : memref<1x160x64xf32, #tpu.memory_space<vmem>> -> memref<160x64xf32, #tpu.memory_space<vmem>>
        tpu.wait_dma2 semaphore(%dma_wait3A_249 : memref<!tpu.dma_semaphore, #tpu.memory_space<semaphore_mem>>) src(%dma_wait3A_255 : memref<160x64xf32, #tpu.memory_space<vmem>>) dst(%dma_wait3A_251 : memref<160x64xf32, #tpu.memory_space<hbm>>)
      } else {
      }
      %scan3A_162 = arith.constant 0 : i32
      %scan3A_163 = arith.constant 8 : i32
      %scan3A_164 = arith.addi %scan3A_162, %scan3A_163 : i32
      %scan3A_165 = arith.constant 1 : i32
      scf.for %scan3A_235 = %scan3A_162 to %scan3A_164 step %scan3A_165  : i32 {
        %mul3A_236 = arith.constant 1 : i32
        %mul3A_237 = arith.muli %scan3A_235, %mul3A_236 : i32
        %add3A_238 = arith.constant 0 : i32
        %add3A_239 = arith.addi %add3A_238, %mul3A_237 : i32
        %mul3A_240 = arith.constant 8 : i32
        %mul3A_241 = arith.muli %add3A_159, %mul3A_240 : i32
        %add3A_242 = arith.addi %mul3A_241, %add3A_239 : i32
        %mul3A_243 = arith.constant 20 : i32
        %mul3A_244 = arith.muli %add3A_239, %mul3A_243 : i32
        %dma_start3A_245 = arith.constant 0 : i32
        %dma_start3A_246 = arith.constant 0 : i32
        %dma_start3A_247 = arith.constant 0 : i32
        %dma_start3A_248 = tpu.memref_slice %arg6[%dma_start3A_245, %mul3A_244, %dma_start3A_247] : memref<4x160x128xf32, #tpu.memory_space<vmem>> -> memref<1x20x128xf32, #tpu.memory_space<vmem>>
        %dma_start3A_249 = tpu.memref_squeeze %dma_start3A_248 : memref<1x20x128xf32, #tpu.memory_space<vmem>> -> memref<20x128xf32, #tpu.memory_space<vmem>>
        %dma_start3A_250 = arith.constant 0 : i32
        %dma_start3A_251 = tpu.memref_slice %arg5[%add3A_242, %dma_start3A_250] : memref<512x20xi32, #tpu.memory_space<vmem>> -> memref<1x20xi32, #tpu.memory_space<vmem>>
        %dma_start3A_252 = tpu.memref_squeeze %dma_start3A_251 : memref<1x20xi32, #tpu.memory_space<vmem>> -> memref<20xi32, #tpu.memory_space<vmem>>
        %dma_start3A_253 = arith.constant 0 : i32
        %dma_start3A_254 = arith.constant 0 : i32
        %dma_start3A_255 = tpu.memref_slice %arg3[%dma_start3A_253, %dma_start3A_254] : memref<1015808x128xf32, #tpu.memory_space<hbm>> -> memref<1015808x128xf32, #tpu.memory_space<hbm>>
        %dma_start3A_256 = tpu.memref_slice %arg7[%dma_start3A_246] : memref<4x!tpu.dma_semaphore, #tpu.memory_space<semaphore_mem>> -> memref<1x!tpu.dma_semaphore, #tpu.memory_space<semaphore_mem>>
        %dma_start3A_257 = tpu.memref_squeeze %dma_start3A_256 : memref<1x!tpu.dma_semaphore, #tpu.memory_space<semaphore_mem>> -> memref<!tpu.dma_semaphore, #tpu.memory_space<semaphore_mem>>
        tpu.enqueue_indirect_dma source(%dma_start3A_255 : memref<1015808x128xf32, #tpu.memory_space<hbm>>) target(%dma_start3A_249 : memref<20x128xf32, #tpu.memory_space<vmem>>) offsets(%dma_start3A_252 : memref<20xi32, #tpu.memory_space<vmem>>) semaphore(%dma_start3A_257 : memref<!tpu.dma_semaphore, #tpu.memory_space<semaphore_mem>>)
      }
      %scan3A_166 = arith.constant 8 : i32
      %sub3A = arith.constant 2 : i32
      %sub3A_167 = arith.subi %add3A_159, %sub3A : i32
      %ge3A = arith.constant 0 : i32
      %ge3A_168 = arith.cmpi sge, %sub3A_167, %ge3A : i32
      %convert_element_type3A_169 = arith.extui %ge3A_168 : i1 to i32
      %cond3A_170 = arith.constant 0 : i32
      %cond3A_171 = arith.cmpi ne, %convert_element_type3A_169, %cond3A_170 : i32
      scf.if %cond3A_171 {
        %dma_wait3A_235 = arith.constant 2 : i32
        %dma_wait3A_236 = arith.constant 2 : i32
        %dma_wait3A_237 = arith.constant 0 : i32
        %dma_wait3A_238 = arith.constant 0 : i32
        %dma_wait3A_239 = tpu.memref_slice %arg6[%dma_wait3A_235, %dma_wait3A_237, %dma_wait3A_238] : memref<4x160x128xf32, #tpu.memory_space<vmem>> -> memref<1x160x128xf32, #tpu.memory_space<vmem>>
        %dma_wait3A_240 = tpu.memref_squeeze %dma_wait3A_239 : memref<1x160x128xf32, #tpu.memory_space<vmem>> -> memref<160x128xf32, #tpu.memory_space<vmem>>
        %dma_wait3A_241 = arith.constant 0 : i32
        %dma_wait3A_242 = arith.constant 0 : i32
        %dma_wait3A_243 = tpu.memref_slice %arg3[%dma_wait3A_241, %dma_wait3A_242] : memref<1015808x128xf32, #tpu.memory_space<hbm>> -> memref<160x128xf32, #tpu.memory_space<hbm>>
        %dma_wait3A_244 = tpu.memref_slice %arg7[%dma_wait3A_236] : memref<4x!tpu.dma_semaphore, #tpu.memory_space<semaphore_mem>> -> memref<1x!tpu.dma_semaphore, #tpu.memory_space<semaphore_mem>>
        %dma_wait3A_245 = tpu.memref_squeeze %dma_wait3A_244 : memref<1x!tpu.dma_semaphore, #tpu.memory_space<semaphore_mem>> -> memref<!tpu.dma_semaphore, #tpu.memory_space<semaphore_mem>>
        %dma_wait3A_246 = arith.constant 0 : i32
        %dma_wait3A_247 = arith.constant 0 : i32
        %dma_wait3A_248 = tpu.memref_slice %arg6[%dma_wait3A_235, %dma_wait3A_246, %dma_wait3A_247] : memref<4x160x128xf32, #tpu.memory_space<vmem>> -> memref<1x160x128xf32, #tpu.memory_space<vmem>>
        %dma_wait3A_249 = tpu.memref_squeeze %dma_wait3A_248 : memref<1x160x128xf32, #tpu.memory_space<vmem>> -> memref<160x128xf32, #tpu.memory_space<vmem>>
        %dma_wait3A_250 = arith.constant 0 : i32
        %dma_wait3A_251 = arith.constant 0 : i32
        %dma_wait3A_252 = tpu.memref_slice %arg3[%dma_wait3A_250, %dma_wait3A_251] : memref<1015808x128xf32, #tpu.memory_space<hbm>> -> memref<160x128xf32, #tpu.memory_space<hbm>>
        tpu.wait_dma2 semaphore(%dma_wait3A_245 : memref<!tpu.dma_semaphore, #tpu.memory_space<semaphore_mem>>) src(%dma_wait3A_252 : memref<160x128xf32, #tpu.memory_space<hbm>>) dst(%dma_wait3A_249 : memref<160x128xf32, #tpu.memory_space<vmem>>)
        %mul3A_253 = arith.constant 160 : i32
        %mul3A_254 = arith.muli %sub3A_167, %mul3A_253 : i32
        %add3A_255 = arith.addi %mul3A_2, %mul3A_254 : i32
        %dma_start3A_256 = arith.constant 2 : i32
        %dma_start3A_257 = arith.constant 2 : i32
        %dma_start3A_258 = arith.constant 0 : i32
        %dma_start3A_259 = arith.constant 0 : i32
        %dma_start3A_260 = tpu.memref_slice %arg6[%dma_start3A_256, %dma_start3A_258, %dma_start3A_259] : memref<4x160x128xf32, #tpu.memory_space<vmem>> -> memref<1x160x64xf32, #tpu.memory_space<vmem>>
        %dma_start3A_261 = tpu.memref_squeeze %dma_start3A_260 : memref<1x160x64xf32, #tpu.memory_space<vmem>> -> memref<160x64xf32, #tpu.memory_space<vmem>>
        %dma_start3A_262 = arith.constant 0 : i32
        %dma_start3A_263 = tpu.memref_slice %arg4[%add3A_255, %dma_start3A_262] : memref<327680x64xf32, #tpu.memory_space<hbm>> -> memref<160x64xf32, #tpu.memory_space<hbm>>
        %dma_start3A_264 = tpu.memref_slice %arg8[%dma_start3A_257] : memref<4x!tpu.dma_semaphore, #tpu.memory_space<semaphore_mem>> -> memref<1x!tpu.dma_semaphore, #tpu.memory_space<semaphore_mem>>
        %dma_start3A_265 = tpu.memref_squeeze %dma_start3A_264 : memref<1x!tpu.dma_semaphore, #tpu.memory_space<semaphore_mem>> -> memref<!tpu.dma_semaphore, #tpu.memory_space<semaphore_mem>>
        %dma_start3A_266 = arith.constant 0 : i32
        %dma_start3A_267 = tpu.memref_slice %arg4[%add3A_255, %dma_start3A_266] : memref<327680x64xf32, #tpu.memory_space<hbm>> -> memref<160x64xf32, #tpu.memory_space<hbm>>
        %dma_start3A_268 = arith.constant 0 : i32
        %dma_start3A_269 = arith.constant 0 : i32
        %dma_start3A_270 = tpu.memref_slice %arg6[%dma_start3A_256, %dma_start3A_268, %dma_start3A_269] : memref<4x160x128xf32, #tpu.memory_space<vmem>> -> memref<1x160x64xf32, #tpu.memory_space<vmem>>
        %dma_start3A_271 = tpu.memref_squeeze %dma_start3A_270 : memref<1x160x64xf32, #tpu.memory_space<vmem>> -> memref<160x64xf32, #tpu.memory_space<vmem>>
        tpu.enqueue_dma source(%dma_start3A_271 : memref<160x64xf32, #tpu.memory_space<vmem>>) target(%dma_start3A_267 : memref<160x64xf32, #tpu.memory_space<hbm>>) target_semaphore(%dma_start3A_265 : memref<!tpu.dma_semaphore, #tpu.memory_space<semaphore_mem>>)
      } else {
      }
      %mul3A_172 = arith.constant 4 : i32
      %mul3A_173 = arith.muli %add3A_155, %mul3A_172 : i32
      %add3A_174 = arith.constant 1 : i32
      %add3A_175 = arith.addi %mul3A_173, %add3A_174 : i32
      %gt3A_176 = arith.constant 0 : i32
      %gt3A_177 = arith.cmpi sgt, %add3A_155, %gt3A_176 : i32
      %convert_element_type3A_178 = arith.extui %gt3A_177 : i1 to i32
      %cond3A_179 = arith.constant 0 : i32
      %cond3A_180 = arith.cmpi ne, %convert_element_type3A_178, %cond3A_179 : i32
      scf.if %cond3A_180 {
        %sub3A_235 = arith.constant 4 : i32
        %sub3A_236 = arith.subi %add3A_175, %sub3A_235 : i32
        %mul3A_237 = arith.constant 160 : i32
        %mul3A_238 = arith.muli %sub3A_236, %mul3A_237 : i32
        %add3A_239 = arith.addi %mul3A_2, %mul3A_238 : i32
        %dma_wait3A_240 = arith.constant 1 : i32
        %dma_wait3A_241 = arith.constant 1 : i32
        %dma_wait3A_242 = arith.constant 0 : i32
        %dma_wait3A_243 = arith.constant 0 : i32
        %dma_wait3A_244 = tpu.memref_slice %arg6[%dma_wait3A_240, %dma_wait3A_242, %dma_wait3A_243] : memref<4x160x128xf32, #tpu.memory_space<vmem>> -> memref<1x160x64xf32, #tpu.memory_space<vmem>>
        %dma_wait3A_245 = tpu.memref_squeeze %dma_wait3A_244 : memref<1x160x64xf32, #tpu.memory_space<vmem>> -> memref<160x64xf32, #tpu.memory_space<vmem>>
        %dma_wait3A_246 = arith.constant 0 : i32
        %dma_wait3A_247 = tpu.memref_slice %arg4[%add3A_239, %dma_wait3A_246] : memref<327680x64xf32, #tpu.memory_space<hbm>> -> memref<160x64xf32, #tpu.memory_space<hbm>>
        %dma_wait3A_248 = tpu.memref_slice %arg8[%dma_wait3A_241] : memref<4x!tpu.dma_semaphore, #tpu.memory_space<semaphore_mem>> -> memref<1x!tpu.dma_semaphore, #tpu.memory_space<semaphore_mem>>
        %dma_wait3A_249 = tpu.memref_squeeze %dma_wait3A_248 : memref<1x!tpu.dma_semaphore, #tpu.memory_space<semaphore_mem>> -> memref<!tpu.dma_semaphore, #tpu.memory_space<semaphore_mem>>
        %dma_wait3A_250 = arith.constant 0 : i32
        %dma_wait3A_251 = tpu.memref_slice %arg4[%add3A_239, %dma_wait3A_250] : memref<327680x64xf32, #tpu.memory_space<hbm>> -> memref<160x64xf32, #tpu.memory_space<hbm>>
        %dma_wait3A_252 = arith.constant 0 : i32
        %dma_wait3A_253 = arith.constant 0 : i32
        %dma_wait3A_254 = tpu.memref_slice %arg6[%dma_wait3A_240, %dma_wait3A_252, %dma_wait3A_253] : memref<4x160x128xf32, #tpu.memory_space<vmem>> -> memref<1x160x64xf32, #tpu.memory_space<vmem>>
        %dma_wait3A_255 = tpu.memref_squeeze %dma_wait3A_254 : memref<1x160x64xf32, #tpu.memory_space<vmem>> -> memref<160x64xf32, #tpu.memory_space<vmem>>
        tpu.wait_dma2 semaphore(%dma_wait3A_249 : memref<!tpu.dma_semaphore, #tpu.memory_space<semaphore_mem>>) src(%dma_wait3A_255 : memref<160x64xf32, #tpu.memory_space<vmem>>) dst(%dma_wait3A_251 : memref<160x64xf32, #tpu.memory_space<hbm>>)
      } else {
      }
      %scan3A_181 = arith.constant 0 : i32
      %scan3A_182 = arith.constant 8 : i32
      %scan3A_183 = arith.addi %scan3A_181, %scan3A_182 : i32
      %scan3A_184 = arith.constant 1 : i32
      scf.for %scan3A_235 = %scan3A_181 to %scan3A_183 step %scan3A_184  : i32 {
        %mul3A_236 = arith.constant 1 : i32
        %mul3A_237 = arith.muli %scan3A_235, %mul3A_236 : i32
        %add3A_238 = arith.constant 0 : i32
        %add3A_239 = arith.addi %add3A_238, %mul3A_237 : i32
        %mul3A_240 = arith.constant 8 : i32
        %mul3A_241 = arith.muli %add3A_175, %mul3A_240 : i32
        %add3A_242 = arith.addi %mul3A_241, %add3A_239 : i32
        %mul3A_243 = arith.constant 20 : i32
        %mul3A_244 = arith.muli %add3A_239, %mul3A_243 : i32
        %dma_start3A_245 = arith.constant 1 : i32
        %dma_start3A_246 = arith.constant 1 : i32
        %dma_start3A_247 = arith.constant 0 : i32
        %dma_start3A_248 = tpu.memref_slice %arg6[%dma_start3A_245, %mul3A_244, %dma_start3A_247] : memref<4x160x128xf32, #tpu.memory_space<vmem>> -> memref<1x20x128xf32, #tpu.memory_space<vmem>>
        %dma_start3A_249 = tpu.memref_squeeze %dma_start3A_248 : memref<1x20x128xf32, #tpu.memory_space<vmem>> -> memref<20x128xf32, #tpu.memory_space<vmem>>
        %dma_start3A_250 = arith.constant 0 : i32
        %dma_start3A_251 = tpu.memref_slice %arg5[%add3A_242, %dma_start3A_250] : memref<512x20xi32, #tpu.memory_space<vmem>> -> memref<1x20xi32, #tpu.memory_space<vmem>>
        %dma_start3A_252 = tpu.memref_squeeze %dma_start3A_251 : memref<1x20xi32, #tpu.memory_space<vmem>> -> memref<20xi32, #tpu.memory_space<vmem>>
        %dma_start3A_253 = arith.constant 0 : i32
        %dma_start3A_254 = arith.constant 0 : i32
        %dma_start3A_255 = tpu.memref_slice %arg3[%dma_start3A_253, %dma_start3A_254] : memref<1015808x128xf32, #tpu.memory_space<hbm>> -> memref<1015808x128xf32, #tpu.memory_space<hbm>>
        %dma_start3A_256 = tpu.memref_slice %arg7[%dma_start3A_246] : memref<4x!tpu.dma_semaphore, #tpu.memory_space<semaphore_mem>> -> memref<1x!tpu.dma_semaphore, #tpu.memory_space<semaphore_mem>>
        %dma_start3A_257 = tpu.memref_squeeze %dma_start3A_256 : memref<1x!tpu.dma_semaphore, #tpu.memory_space<semaphore_mem>> -> memref<!tpu.dma_semaphore, #tpu.memory_space<semaphore_mem>>
        tpu.enqueue_indirect_dma source(%dma_start3A_255 : memref<1015808x128xf32, #tpu.memory_space<hbm>>) target(%dma_start3A_249 : memref<20x128xf32, #tpu.memory_space<vmem>>) offsets(%dma_start3A_252 : memref<20xi32, #tpu.memory_space<vmem>>) semaphore(%dma_start3A_257 : memref<!tpu.dma_semaphore, #tpu.memory_space<semaphore_mem>>)
      }
      %scan3A_185 = arith.constant 8 : i32
      %sub3A_186 = arith.constant 2 : i32
      %sub3A_187 = arith.subi %add3A_175, %sub3A_186 : i32
      %ge3A_188 = arith.constant 0 : i32
      %ge3A_189 = arith.cmpi sge, %sub3A_187, %ge3A_188 : i32
      %convert_element_type3A_190 = arith.extui %ge3A_189 : i1 to i32
      %cond3A_191 = arith.constant 0 : i32
      %cond3A_192 = arith.cmpi ne, %convert_element_type3A_190, %cond3A_191 : i32
      scf.if %cond3A_192 {
        %dma_wait3A_235 = arith.constant 3 : i32
        %dma_wait3A_236 = arith.constant 3 : i32
        %dma_wait3A_237 = arith.constant 0 : i32
        %dma_wait3A_238 = arith.constant 0 : i32
        %dma_wait3A_239 = tpu.memref_slice %arg6[%dma_wait3A_235, %dma_wait3A_237, %dma_wait3A_238] : memref<4x160x128xf32, #tpu.memory_space<vmem>> -> memref<1x160x128xf32, #tpu.memory_space<vmem>>
        %dma_wait3A_240 = tpu.memref_squeeze %dma_wait3A_239 : memref<1x160x128xf32, #tpu.memory_space<vmem>> -> memref<160x128xf32, #tpu.memory_space<vmem>>
        %dma_wait3A_241 = arith.constant 0 : i32
        %dma_wait3A_242 = arith.constant 0 : i32
        %dma_wait3A_243 = tpu.memref_slice %arg3[%dma_wait3A_241, %dma_wait3A_242] : memref<1015808x128xf32, #tpu.memory_space<hbm>> -> memref<160x128xf32, #tpu.memory_space<hbm>>
        %dma_wait3A_244 = tpu.memref_slice %arg7[%dma_wait3A_236] : memref<4x!tpu.dma_semaphore, #tpu.memory_space<semaphore_mem>> -> memref<1x!tpu.dma_semaphore, #tpu.memory_space<semaphore_mem>>
        %dma_wait3A_245 = tpu.memref_squeeze %dma_wait3A_244 : memref<1x!tpu.dma_semaphore, #tpu.memory_space<semaphore_mem>> -> memref<!tpu.dma_semaphore, #tpu.memory_space<semaphore_mem>>
        %dma_wait3A_246 = arith.constant 0 : i32
        %dma_wait3A_247 = arith.constant 0 : i32
        %dma_wait3A_248 = tpu.memref_slice %arg6[%dma_wait3A_235, %dma_wait3A_246, %dma_wait3A_247] : memref<4x160x128xf32, #tpu.memory_space<vmem>> -> memref<1x160x128xf32, #tpu.memory_space<vmem>>
        %dma_wait3A_249 = tpu.memref_squeeze %dma_wait3A_248 : memref<1x160x128xf32, #tpu.memory_space<vmem>> -> memref<160x128xf32, #tpu.memory_space<vmem>>
        %dma_wait3A_250 = arith.constant 0 : i32
        %dma_wait3A_251 = arith.constant 0 : i32
        %dma_wait3A_252 = tpu.memref_slice %arg3[%dma_wait3A_250, %dma_wait3A_251] : memref<1015808x128xf32, #tpu.memory_space<hbm>> -> memref<160x128xf32, #tpu.memory_space<hbm>>
        tpu.wait_dma2 semaphore(%dma_wait3A_245 : memref<!tpu.dma_semaphore, #tpu.memory_space<semaphore_mem>>) src(%dma_wait3A_252 : memref<160x128xf32, #tpu.memory_space<hbm>>) dst(%dma_wait3A_249 : memref<160x128xf32, #tpu.memory_space<vmem>>)
        %mul3A_253 = arith.constant 160 : i32
        %mul3A_254 = arith.muli %sub3A_187, %mul3A_253 : i32
        %add3A_255 = arith.addi %mul3A_2, %mul3A_254 : i32
        %dma_start3A_256 = arith.constant 3 : i32
        %dma_start3A_257 = arith.constant 3 : i32
        %dma_start3A_258 = arith.constant 0 : i32
        %dma_start3A_259 = arith.constant 0 : i32
        %dma_start3A_260 = tpu.memref_slice %arg6[%dma_start3A_256, %dma_start3A_258, %dma_start3A_259] : memref<4x160x128xf32, #tpu.memory_space<vmem>> -> memref<1x160x64xf32, #tpu.memory_space<vmem>>
        %dma_start3A_261 = tpu.memref_squeeze %dma_start3A_260 : memref<1x160x64xf32, #tpu.memory_space<vmem>> -> memref<160x64xf32, #tpu.memory_space<vmem>>
        %dma_start3A_262 = arith.constant 0 : i32
        %dma_start3A_263 = tpu.memref_slice %arg4[%add3A_255, %dma_start3A_262] : memref<327680x64xf32, #tpu.memory_space<hbm>> -> memref<160x64xf32, #tpu.memory_space<hbm>>
        %dma_start3A_264 = tpu.memref_slice %arg8[%dma_start3A_257] : memref<4x!tpu.dma_semaphore, #tpu.memory_space<semaphore_mem>> -> memref<1x!tpu.dma_semaphore, #tpu.memory_space<semaphore_mem>>
        %dma_start3A_265 = tpu.memref_squeeze %dma_start3A_264 : memref<1x!tpu.dma_semaphore, #tpu.memory_space<semaphore_mem>> -> memref<!tpu.dma_semaphore, #tpu.memory_space<semaphore_mem>>
        %dma_start3A_266 = arith.constant 0 : i32
        %dma_start3A_267 = tpu.memref_slice %arg4[%add3A_255, %dma_start3A_266] : memref<327680x64xf32, #tpu.memory_space<hbm>> -> memref<160x64xf32, #tpu.memory_space<hbm>>
        %dma_start3A_268 = arith.constant 0 : i32
        %dma_start3A_269 = arith.constant 0 : i32
        %dma_start3A_270 = tpu.memref_slice %arg6[%dma_start3A_256, %dma_start3A_268, %dma_start3A_269] : memref<4x160x128xf32, #tpu.memory_space<vmem>> -> memref<1x160x64xf32, #tpu.memory_space<vmem>>
        %dma_start3A_271 = tpu.memref_squeeze %dma_start3A_270 : memref<1x160x64xf32, #tpu.memory_space<vmem>> -> memref<160x64xf32, #tpu.memory_space<vmem>>
        tpu.enqueue_dma source(%dma_start3A_271 : memref<160x64xf32, #tpu.memory_space<vmem>>) target(%dma_start3A_267 : memref<160x64xf32, #tpu.memory_space<hbm>>) target_semaphore(%dma_start3A_265 : memref<!tpu.dma_semaphore, #tpu.memory_space<semaphore_mem>>)
      } else {
      }
      %mul3A_193 = arith.constant 4 : i32
      %mul3A_194 = arith.muli %add3A_155, %mul3A_193 : i32
      %add3A_195 = arith.constant 2 : i32
      %add3A_196 = arith.addi %mul3A_194, %add3A_195 : i32
      %gt3A_197 = arith.constant 0 : i32
      %gt3A_198 = arith.cmpi sgt, %add3A_155, %gt3A_197 : i32
      %convert_element_type3A_199 = arith.extui %gt3A_198 : i1 to i32
      %cond3A_200 = arith.constant 0 : i32
      %cond3A_201 = arith.cmpi ne, %convert_element_type3A_199, %cond3A_200 : i32
      scf.if %cond3A_201 {
        %sub3A_235 = arith.constant 4 : i32
        %sub3A_236 = arith.subi %add3A_196, %sub3A_235 : i32
        %mul3A_237 = arith.constant 160 : i32
        %mul3A_238 = arith.muli %sub3A_236, %mul3A_237 : i32
        %add3A_239 = arith.addi %mul3A_2, %mul3A_238 : i32
        %dma_wait3A_240 = arith.constant 2 : i32
        %dma_wait3A_241 = arith.constant 2 : i32
        %dma_wait3A_242 = arith.constant 0 : i32
        %dma_wait3A_243 = arith.constant 0 : i32
        %dma_wait3A_244 = tpu.memref_slice %arg6[%dma_wait3A_240, %dma_wait3A_242, %dma_wait3A_243] : memref<4x160x128xf32, #tpu.memory_space<vmem>> -> memref<1x160x64xf32, #tpu.memory_space<vmem>>
        %dma_wait3A_245 = tpu.memref_squeeze %dma_wait3A_244 : memref<1x160x64xf32, #tpu.memory_space<vmem>> -> memref<160x64xf32, #tpu.memory_space<vmem>>
        %dma_wait3A_246 = arith.constant 0 : i32
        %dma_wait3A_247 = tpu.memref_slice %arg4[%add3A_239, %dma_wait3A_246] : memref<327680x64xf32, #tpu.memory_space<hbm>> -> memref<160x64xf32, #tpu.memory_space<hbm>>
        %dma_wait3A_248 = tpu.memref_slice %arg8[%dma_wait3A_241] : memref<4x!tpu.dma_semaphore, #tpu.memory_space<semaphore_mem>> -> memref<1x!tpu.dma_semaphore, #tpu.memory_space<semaphore_mem>>
        %dma_wait3A_249 = tpu.memref_squeeze %dma_wait3A_248 : memref<1x!tpu.dma_semaphore, #tpu.memory_space<semaphore_mem>> -> memref<!tpu.dma_semaphore, #tpu.memory_space<semaphore_mem>>
        %dma_wait3A_250 = arith.constant 0 : i32
        %dma_wait3A_251 = tpu.memref_slice %arg4[%add3A_239, %dma_wait3A_250] : memref<327680x64xf32, #tpu.memory_space<hbm>> -> memref<160x64xf32, #tpu.memory_space<hbm>>
        %dma_wait3A_252 = arith.constant 0 : i32
        %dma_wait3A_253 = arith.constant 0 : i32
        %dma_wait3A_254 = tpu.memref_slice %arg6[%dma_wait3A_240, %dma_wait3A_252, %dma_wait3A_253] : memref<4x160x128xf32, #tpu.memory_space<vmem>> -> memref<1x160x64xf32, #tpu.memory_space<vmem>>
        %dma_wait3A_255 = tpu.memref_squeeze %dma_wait3A_254 : memref<1x160x64xf32, #tpu.memory_space<vmem>> -> memref<160x64xf32, #tpu.memory_space<vmem>>
        tpu.wait_dma2 semaphore(%dma_wait3A_249 : memref<!tpu.dma_semaphore, #tpu.memory_space<semaphore_mem>>) src(%dma_wait3A_255 : memref<160x64xf32, #tpu.memory_space<vmem>>) dst(%dma_wait3A_251 : memref<160x64xf32, #tpu.memory_space<hbm>>)
      } else {
      }
      %scan3A_202 = arith.constant 0 : i32
      %scan3A_203 = arith.constant 8 : i32
      %scan3A_204 = arith.addi %scan3A_202, %scan3A_203 : i32
      %scan3A_205 = arith.constant 1 : i32
      scf.for %scan3A_235 = %scan3A_202 to %scan3A_204 step %scan3A_205  : i32 {
        %mul3A_236 = arith.constant 1 : i32
        %mul3A_237 = arith.muli %scan3A_235, %mul3A_236 : i32
        %add3A_238 = arith.constant 0 : i32
        %add3A_239 = arith.addi %add3A_238, %mul3A_237 : i32
        %mul3A_240 = arith.constant 8 : i32
        %mul3A_241 = arith.muli %add3A_196, %mul3A_240 : i32
        %add3A_242 = arith.addi %mul3A_241, %add3A_239 : i32
        %mul3A_243 = arith.constant 20 : i32
        %mul3A_244 = arith.muli %add3A_239, %mul3A_243 : i32
        %dma_start3A_245 = arith.constant 2 : i32
        %dma_start3A_246 = arith.constant 2 : i32
        %dma_start3A_247 = arith.constant 0 : i32
        %dma_start3A_248 = tpu.memref_slice %arg6[%dma_start3A_245, %mul3A_244, %dma_start3A_247] : memref<4x160x128xf32, #tpu.memory_space<vmem>> -> memref<1x20x128xf32, #tpu.memory_space<vmem>>
        %dma_start3A_249 = tpu.memref_squeeze %dma_start3A_248 : memref<1x20x128xf32, #tpu.memory_space<vmem>> -> memref<20x128xf32, #tpu.memory_space<vmem>>
        %dma_start3A_250 = arith.constant 0 : i32
        %dma_start3A_251 = tpu.memref_slice %arg5[%add3A_242, %dma_start3A_250] : memref<512x20xi32, #tpu.memory_space<vmem>> -> memref<1x20xi32, #tpu.memory_space<vmem>>
        %dma_start3A_252 = tpu.memref_squeeze %dma_start3A_251 : memref<1x20xi32, #tpu.memory_space<vmem>> -> memref<20xi32, #tpu.memory_space<vmem>>
        %dma_start3A_253 = arith.constant 0 : i32
        %dma_start3A_254 = arith.constant 0 : i32
        %dma_start3A_255 = tpu.memref_slice %arg3[%dma_start3A_253, %dma_start3A_254] : memref<1015808x128xf32, #tpu.memory_space<hbm>> -> memref<1015808x128xf32, #tpu.memory_space<hbm>>
        %dma_start3A_256 = tpu.memref_slice %arg7[%dma_start3A_246] : memref<4x!tpu.dma_semaphore, #tpu.memory_space<semaphore_mem>> -> memref<1x!tpu.dma_semaphore, #tpu.memory_space<semaphore_mem>>
        %dma_start3A_257 = tpu.memref_squeeze %dma_start3A_256 : memref<1x!tpu.dma_semaphore, #tpu.memory_space<semaphore_mem>> -> memref<!tpu.dma_semaphore, #tpu.memory_space<semaphore_mem>>
        tpu.enqueue_indirect_dma source(%dma_start3A_255 : memref<1015808x128xf32, #tpu.memory_space<hbm>>) target(%dma_start3A_249 : memref<20x128xf32, #tpu.memory_space<vmem>>) offsets(%dma_start3A_252 : memref<20xi32, #tpu.memory_space<vmem>>) semaphore(%dma_start3A_257 : memref<!tpu.dma_semaphore, #tpu.memory_space<semaphore_mem>>)
      }
      %scan3A_206 = arith.constant 8 : i32
      %sub3A_207 = arith.constant 2 : i32
      %sub3A_208 = arith.subi %add3A_196, %sub3A_207 : i32
      %ge3A_209 = arith.constant 0 : i32
      %ge3A_210 = arith.cmpi sge, %sub3A_208, %ge3A_209 : i32
      %convert_element_type3A_211 = arith.extui %ge3A_210 : i1 to i32
      %cond3A_212 = arith.constant 0 : i32
      %cond3A_213 = arith.cmpi ne, %convert_element_type3A_211, %cond3A_212 : i32
      scf.if %cond3A_213 {
        %dma_wait3A_235 = arith.constant 0 : i32
        %dma_wait3A_236 = arith.constant 0 : i32
        %dma_wait3A_237 = arith.constant 0 : i32
        %dma_wait3A_238 = arith.constant 0 : i32
        %dma_wait3A_239 = tpu.memref_slice %arg6[%dma_wait3A_235, %dma_wait3A_237, %dma_wait3A_238] : memref<4x160x128xf32, #tpu.memory_space<vmem>> -> memref<1x160x128xf32, #tpu.memory_space<vmem>>
        %dma_wait3A_240 = tpu.memref_squeeze %dma_wait3A_239 : memref<1x160x128xf32, #tpu.memory_space<vmem>> -> memref<160x128xf32, #tpu.memory_space<vmem>>
        %dma_wait3A_241 = arith.constant 0 : i32
        %dma_wait3A_242 = arith.constant 0 : i32
        %dma_wait3A_243 = tpu.memref_slice %arg3[%dma_wait3A_241, %dma_wait3A_242] : memref<1015808x128xf32, #tpu.memory_space<hbm>> -> memref<160x128xf32, #tpu.memory_space<hbm>>
        %dma_wait3A_244 = tpu.memref_slice %arg7[%dma_wait3A_236] : memref<4x!tpu.dma_semaphore, #tpu.memory_space<semaphore_mem>> -> memref<1x!tpu.dma_semaphore, #tpu.memory_space<semaphore_mem>>
        %dma_wait3A_245 = tpu.memref_squeeze %dma_wait3A_244 : memref<1x!tpu.dma_semaphore, #tpu.memory_space<semaphore_mem>> -> memref<!tpu.dma_semaphore, #tpu.memory_space<semaphore_mem>>
        %dma_wait3A_246 = arith.constant 0 : i32
        %dma_wait3A_247 = arith.constant 0 : i32
        %dma_wait3A_248 = tpu.memref_slice %arg6[%dma_wait3A_235, %dma_wait3A_246, %dma_wait3A_247] : memref<4x160x128xf32, #tpu.memory_space<vmem>> -> memref<1x160x128xf32, #tpu.memory_space<vmem>>
        %dma_wait3A_249 = tpu.memref_squeeze %dma_wait3A_248 : memref<1x160x128xf32, #tpu.memory_space<vmem>> -> memref<160x128xf32, #tpu.memory_space<vmem>>
        %dma_wait3A_250 = arith.constant 0 : i32
        %dma_wait3A_251 = arith.constant 0 : i32
        %dma_wait3A_252 = tpu.memref_slice %arg3[%dma_wait3A_250, %dma_wait3A_251] : memref<1015808x128xf32, #tpu.memory_space<hbm>> -> memref<160x128xf32, #tpu.memory_space<hbm>>
        tpu.wait_dma2 semaphore(%dma_wait3A_245 : memref<!tpu.dma_semaphore, #tpu.memory_space<semaphore_mem>>) src(%dma_wait3A_252 : memref<160x128xf32, #tpu.memory_space<hbm>>) dst(%dma_wait3A_249 : memref<160x128xf32, #tpu.memory_space<vmem>>)
        %mul3A_253 = arith.constant 160 : i32
        %mul3A_254 = arith.muli %sub3A_208, %mul3A_253 : i32
        %add3A_255 = arith.addi %mul3A_2, %mul3A_254 : i32
        %dma_start3A_256 = arith.constant 0 : i32
        %dma_start3A_257 = arith.constant 0 : i32
        %dma_start3A_258 = arith.constant 0 : i32
        %dma_start3A_259 = arith.constant 0 : i32
        %dma_start3A_260 = tpu.memref_slice %arg6[%dma_start3A_256, %dma_start3A_258, %dma_start3A_259] : memref<4x160x128xf32, #tpu.memory_space<vmem>> -> memref<1x160x64xf32, #tpu.memory_space<vmem>>
        %dma_start3A_261 = tpu.memref_squeeze %dma_start3A_260 : memref<1x160x64xf32, #tpu.memory_space<vmem>> -> memref<160x64xf32, #tpu.memory_space<vmem>>
        %dma_start3A_262 = arith.constant 0 : i32
        %dma_start3A_263 = tpu.memref_slice %arg4[%add3A_255, %dma_start3A_262] : memref<327680x64xf32, #tpu.memory_space<hbm>> -> memref<160x64xf32, #tpu.memory_space<hbm>>
        %dma_start3A_264 = tpu.memref_slice %arg8[%dma_start3A_257] : memref<4x!tpu.dma_semaphore, #tpu.memory_space<semaphore_mem>> -> memref<1x!tpu.dma_semaphore, #tpu.memory_space<semaphore_mem>>
        %dma_start3A_265 = tpu.memref_squeeze %dma_start3A_264 : memref<1x!tpu.dma_semaphore, #tpu.memory_space<semaphore_mem>> -> memref<!tpu.dma_semaphore, #tpu.memory_space<semaphore_mem>>
        %dma_start3A_266 = arith.constant 0 : i32
        %dma_start3A_267 = tpu.memref_slice %arg4[%add3A_255, %dma_start3A_266] : memref<327680x64xf32, #tpu.memory_space<hbm>> -> memref<160x64xf32, #tpu.memory_space<hbm>>
        %dma_start3A_268 = arith.constant 0 : i32
        %dma_start3A_269 = arith.constant 0 : i32
        %dma_start3A_270 = tpu.memref_slice %arg6[%dma_start3A_256, %dma_start3A_268, %dma_start3A_269] : memref<4x160x128xf32, #tpu.memory_space<vmem>> -> memref<1x160x64xf32, #tpu.memory_space<vmem>>
        %dma_start3A_271 = tpu.memref_squeeze %dma_start3A_270 : memref<1x160x64xf32, #tpu.memory_space<vmem>> -> memref<160x64xf32, #tpu.memory_space<vmem>>
        tpu.enqueue_dma source(%dma_start3A_271 : memref<160x64xf32, #tpu.memory_space<vmem>>) target(%dma_start3A_267 : memref<160x64xf32, #tpu.memory_space<hbm>>) target_semaphore(%dma_start3A_265 : memref<!tpu.dma_semaphore, #tpu.memory_space<semaphore_mem>>)
      } else {
      }
      %mul3A_214 = arith.constant 4 : i32
      %mul3A_215 = arith.muli %add3A_155, %mul3A_214 : i32
      %add3A_216 = arith.constant 3 : i32
      %add3A_217 = arith.addi %mul3A_215, %add3A_216 : i32
      %gt3A_218 = arith.constant 0 : i32
      %gt3A_219 = arith.cmpi sgt, %add3A_155, %gt3A_218 : i32
      %convert_element_type3A_220 = arith.extui %gt3A_219 : i1 to i32
      %cond3A_221 = arith.constant 0 : i32
      %cond3A_222 = arith.cmpi ne, %convert_element_type3A_220, %cond3A_221 : i32
      scf.if %cond3A_222 {
        %sub3A_235 = arith.constant 4 : i32
        %sub3A_236 = arith.subi %add3A_217, %sub3A_235 : i32
        %mul3A_237 = arith.constant 160 : i32
        %mul3A_238 = arith.muli %sub3A_236, %mul3A_237 : i32
        %add3A_239 = arith.addi %mul3A_2, %mul3A_238 : i32
        %dma_wait3A_240 = arith.constant 3 : i32
        %dma_wait3A_241 = arith.constant 3 : i32
        %dma_wait3A_242 = arith.constant 0 : i32
        %dma_wait3A_243 = arith.constant 0 : i32
        %dma_wait3A_244 = tpu.memref_slice %arg6[%dma_wait3A_240, %dma_wait3A_242, %dma_wait3A_243] : memref<4x160x128xf32, #tpu.memory_space<vmem>> -> memref<1x160x64xf32, #tpu.memory_space<vmem>>
        %dma_wait3A_245 = tpu.memref_squeeze %dma_wait3A_244 : memref<1x160x64xf32, #tpu.memory_space<vmem>> -> memref<160x64xf32, #tpu.memory_space<vmem>>
        %dma_wait3A_246 = arith.constant 0 : i32
        %dma_wait3A_247 = tpu.memref_slice %arg4[%add3A_239, %dma_wait3A_246] : memref<327680x64xf32, #tpu.memory_space<hbm>> -> memref<160x64xf32, #tpu.memory_space<hbm>>
        %dma_wait3A_248 = tpu.memref_slice %arg8[%dma_wait3A_241] : memref<4x!tpu.dma_semaphore, #tpu.memory_space<semaphore_mem>> -> memref<1x!tpu.dma_semaphore, #tpu.memory_space<semaphore_mem>>
        %dma_wait3A_249 = tpu.memref_squeeze %dma_wait3A_248 : memref<1x!tpu.dma_semaphore, #tpu.memory_space<semaphore_mem>> -> memref<!tpu.dma_semaphore, #tpu.memory_space<semaphore_mem>>
        %dma_wait3A_250 = arith.constant 0 : i32
        %dma_wait3A_251 = tpu.memref_slice %arg4[%add3A_239, %dma_wait3A_250] : memref<327680x64xf32, #tpu.memory_space<hbm>> -> memref<160x64xf32, #tpu.memory_space<hbm>>
        %dma_wait3A_252 = arith.constant 0 : i32
        %dma_wait3A_253 = arith.constant 0 : i32
        %dma_wait3A_254 = tpu.memref_slice %arg6[%dma_wait3A_240, %dma_wait3A_252, %dma_wait3A_253] : memref<4x160x128xf32, #tpu.memory_space<vmem>> -> memref<1x160x64xf32, #tpu.memory_space<vmem>>
        %dma_wait3A_255 = tpu.memref_squeeze %dma_wait3A_254 : memref<1x160x64xf32, #tpu.memory_space<vmem>> -> memref<160x64xf32, #tpu.memory_space<vmem>>
        tpu.wait_dma2 semaphore(%dma_wait3A_249 : memref<!tpu.dma_semaphore, #tpu.memory_space<semaphore_mem>>) src(%dma_wait3A_255 : memref<160x64xf32, #tpu.memory_space<vmem>>) dst(%dma_wait3A_251 : memref<160x64xf32, #tpu.memory_space<hbm>>)
      } else {
      }
      %scan3A_223 = arith.constant 0 : i32
      %scan3A_224 = arith.constant 8 : i32
      %scan3A_225 = arith.addi %scan3A_223, %scan3A_224 : i32
      %scan3A_226 = arith.constant 1 : i32
      scf.for %scan3A_235 = %scan3A_223 to %scan3A_225 step %scan3A_226  : i32 {
        %mul3A_236 = arith.constant 1 : i32
        %mul3A_237 = arith.muli %scan3A_235, %mul3A_236 : i32
        %add3A_238 = arith.constant 0 : i32
        %add3A_239 = arith.addi %add3A_238, %mul3A_237 : i32
        %mul3A_240 = arith.constant 8 : i32
        %mul3A_241 = arith.muli %add3A_217, %mul3A_240 : i32
        %add3A_242 = arith.addi %mul3A_241, %add3A_239 : i32
        %mul3A_243 = arith.constant 20 : i32
        %mul3A_244 = arith.muli %add3A_239, %mul3A_243 : i32
        %dma_start3A_245 = arith.constant 3 : i32
        %dma_start3A_246 = arith.constant 3 : i32
        %dma_start3A_247 = arith.constant 0 : i32
        %dma_start3A_248 = tpu.memref_slice %arg6[%dma_start3A_245, %mul3A_244, %dma_start3A_247] : memref<4x160x128xf32, #tpu.memory_space<vmem>> -> memref<1x20x128xf32, #tpu.memory_space<vmem>>
        %dma_start3A_249 = tpu.memref_squeeze %dma_start3A_248 : memref<1x20x128xf32, #tpu.memory_space<vmem>> -> memref<20x128xf32, #tpu.memory_space<vmem>>
        %dma_start3A_250 = arith.constant 0 : i32
        %dma_start3A_251 = tpu.memref_slice %arg5[%add3A_242, %dma_start3A_250] : memref<512x20xi32, #tpu.memory_space<vmem>> -> memref<1x20xi32, #tpu.memory_space<vmem>>
        %dma_start3A_252 = tpu.memref_squeeze %dma_start3A_251 : memref<1x20xi32, #tpu.memory_space<vmem>> -> memref<20xi32, #tpu.memory_space<vmem>>
        %dma_start3A_253 = arith.constant 0 : i32
        %dma_start3A_254 = arith.constant 0 : i32
        %dma_start3A_255 = tpu.memref_slice %arg3[%dma_start3A_253, %dma_start3A_254] : memref<1015808x128xf32, #tpu.memory_space<hbm>> -> memref<1015808x128xf32, #tpu.memory_space<hbm>>
        %dma_start3A_256 = tpu.memref_slice %arg7[%dma_start3A_246] : memref<4x!tpu.dma_semaphore, #tpu.memory_space<semaphore_mem>> -> memref<1x!tpu.dma_semaphore, #tpu.memory_space<semaphore_mem>>
        %dma_start3A_257 = tpu.memref_squeeze %dma_start3A_256 : memref<1x!tpu.dma_semaphore, #tpu.memory_space<semaphore_mem>> -> memref<!tpu.dma_semaphore, #tpu.memory_space<semaphore_mem>>
        tpu.enqueue_indirect_dma source(%dma_start3A_255 : memref<1015808x128xf32, #tpu.memory_space<hbm>>) target(%dma_start3A_249 : memref<20x128xf32, #tpu.memory_space<vmem>>) offsets(%dma_start3A_252 : memref<20xi32, #tpu.memory_space<vmem>>) semaphore(%dma_start3A_257 : memref<!tpu.dma_semaphore, #tpu.memory_space<semaphore_mem>>)
      }
      %scan3A_227 = arith.constant 8 : i32
      %sub3A_228 = arith.constant 2 : i32
      %sub3A_229 = arith.subi %add3A_217, %sub3A_228 : i32
      %ge3A_230 = arith.constant 0 : i32
      %ge3A_231 = arith.cmpi sge, %sub3A_229, %ge3A_230 : i32
      %convert_element_type3A_232 = arith.extui %ge3A_231 : i1 to i32
      %cond3A_233 = arith.constant 0 : i32
      %cond3A_234 = arith.cmpi ne, %convert_element_type3A_232, %cond3A_233 : i32
      scf.if %cond3A_234 {
        %dma_wait3A_235 = arith.constant 1 : i32
        %dma_wait3A_236 = arith.constant 1 : i32
        %dma_wait3A_237 = arith.constant 0 : i32
        %dma_wait3A_238 = arith.constant 0 : i32
        %dma_wait3A_239 = tpu.memref_slice %arg6[%dma_wait3A_235, %dma_wait3A_237, %dma_wait3A_238] : memref<4x160x128xf32, #tpu.memory_space<vmem>> -> memref<1x160x128xf32, #tpu.memory_space<vmem>>
        %dma_wait3A_240 = tpu.memref_squeeze %dma_wait3A_239 : memref<1x160x128xf32, #tpu.memory_space<vmem>> -> memref<160x128xf32, #tpu.memory_space<vmem>>
        %dma_wait3A_241 = arith.constant 0 : i32
        %dma_wait3A_242 = arith.constant 0 : i32
        %dma_wait3A_243 = tpu.memref_slice %arg3[%dma_wait3A_241, %dma_wait3A_242] : memref<1015808x128xf32, #tpu.memory_space<hbm>> -> memref<160x128xf32, #tpu.memory_space<hbm>>
        %dma_wait3A_244 = tpu.memref_slice %arg7[%dma_wait3A_236] : memref<4x!tpu.dma_semaphore, #tpu.memory_space<semaphore_mem>> -> memref<1x!tpu.dma_semaphore, #tpu.memory_space<semaphore_mem>>
        %dma_wait3A_245 = tpu.memref_squeeze %dma_wait3A_244 : memref<1x!tpu.dma_semaphore, #tpu.memory_space<semaphore_mem>> -> memref<!tpu.dma_semaphore, #tpu.memory_space<semaphore_mem>>
        %dma_wait3A_246 = arith.constant 0 : i32
        %dma_wait3A_247 = arith.constant 0 : i32
        %dma_wait3A_248 = tpu.memref_slice %arg6[%dma_wait3A_235, %dma_wait3A_246, %dma_wait3A_247] : memref<4x160x128xf32, #tpu.memory_space<vmem>> -> memref<1x160x128xf32, #tpu.memory_space<vmem>>
        %dma_wait3A_249 = tpu.memref_squeeze %dma_wait3A_248 : memref<1x160x128xf32, #tpu.memory_space<vmem>> -> memref<160x128xf32, #tpu.memory_space<vmem>>
        %dma_wait3A_250 = arith.constant 0 : i32
        %dma_wait3A_251 = arith.constant 0 : i32
        %dma_wait3A_252 = tpu.memref_slice %arg3[%dma_wait3A_250, %dma_wait3A_251] : memref<1015808x128xf32, #tpu.memory_space<hbm>> -> memref<160x128xf32, #tpu.memory_space<hbm>>
        tpu.wait_dma2 semaphore(%dma_wait3A_245 : memref<!tpu.dma_semaphore, #tpu.memory_space<semaphore_mem>>) src(%dma_wait3A_252 : memref<160x128xf32, #tpu.memory_space<hbm>>) dst(%dma_wait3A_249 : memref<160x128xf32, #tpu.memory_space<vmem>>)
        %mul3A_253 = arith.constant 160 : i32
        %mul3A_254 = arith.muli %sub3A_229, %mul3A_253 : i32
        %add3A_255 = arith.addi %mul3A_2, %mul3A_254 : i32
        %dma_start3A_256 = arith.constant 1 : i32
        %dma_start3A_257 = arith.constant 1 : i32
        %dma_start3A_258 = arith.constant 0 : i32
        %dma_start3A_259 = arith.constant 0 : i32
        %dma_start3A_260 = tpu.memref_slice %arg6[%dma_start3A_256, %dma_start3A_258, %dma_start3A_259] : memref<4x160x128xf32, #tpu.memory_space<vmem>> -> memref<1x160x64xf32, #tpu.memory_space<vmem>>
        %dma_start3A_261 = tpu.memref_squeeze %dma_start3A_260 : memref<1x160x64xf32, #tpu.memory_space<vmem>> -> memref<160x64xf32, #tpu.memory_space<vmem>>
        %dma_start3A_262 = arith.constant 0 : i32
        %dma_start3A_263 = tpu.memref_slice %arg4[%add3A_255, %dma_start3A_262] : memref<327680x64xf32, #tpu.memory_space<hbm>> -> memref<160x64xf32, #tpu.memory_space<hbm>>
        %dma_start3A_264 = tpu.memref_slice %arg8[%dma_start3A_257] : memref<4x!tpu.dma_semaphore, #tpu.memory_space<semaphore_mem>> -> memref<1x!tpu.dma_semaphore, #tpu.memory_space<semaphore_mem>>
        %dma_start3A_265 = tpu.memref_squeeze %dma_start3A_264 : memref<1x!tpu.dma_semaphore, #tpu.memory_space<semaphore_mem>> -> memref<!tpu.dma_semaphore, #tpu.memory_space<semaphore_mem>>
        %dma_start3A_266 = arith.constant 0 : i32
        %dma_start3A_267 = tpu.memref_slice %arg4[%add3A_255, %dma_start3A_266] : memref<327680x64xf32, #tpu.memory_space<hbm>> -> memref<160x64xf32, #tpu.memory_space<hbm>>
        %dma_start3A_268 = arith.constant 0 : i32
        %dma_start3A_269 = arith.constant 0 : i32
        %dma_start3A_270 = tpu.memref_slice %arg6[%dma_start3A_256, %dma_start3A_268, %dma_start3A_269] : memref<4x160x128xf32, #tpu.memory_space<vmem>> -> memref<1x160x64xf32, #tpu.memory_space<vmem>>
        %dma_start3A_271 = tpu.memref_squeeze %dma_start3A_270 : memref<1x160x64xf32, #tpu.memory_space<vmem>> -> memref<160x64xf32, #tpu.memory_space<vmem>>
        tpu.enqueue_dma source(%dma_start3A_271 : memref<160x64xf32, #tpu.memory_space<vmem>>) target(%dma_start3A_267 : memref<160x64xf32, #tpu.memory_space<hbm>>) target_semaphore(%dma_start3A_265 : memref<!tpu.dma_semaphore, #tpu.memory_space<semaphore_mem>>)
      } else {
      }
    }
    %scan3A_8 = arith.constant 16 : i32
    %dma_wait3A = arith.constant 2 : i32
    %dma_wait3A_9 = arith.constant 2 : i32
    %dma_wait3A_10 = arith.constant 0 : i32
    %dma_wait3A_11 = arith.constant 0 : i32
    %dma_wait3A_12 = tpu.memref_slice %arg6[%dma_wait3A, %dma_wait3A_10, %dma_wait3A_11] : memref<4x160x128xf32, #tpu.memory_space<vmem>> -> memref<1x160x128xf32, #tpu.memory_space<vmem>>
    %dma_wait3A_13 = tpu.memref_squeeze %dma_wait3A_12 : memref<1x160x128xf32, #tpu.memory_space<vmem>> -> memref<160x128xf32, #tpu.memory_space<vmem>>
    %dma_wait3A_14 = arith.constant 0 : i32
    %dma_wait3A_15 = arith.constant 0 : i32
    %dma_wait3A_16 = tpu.memref_slice %arg3[%dma_wait3A_14, %dma_wait3A_15] : memref<1015808x128xf32, #tpu.memory_space<hbm>> -> memref<160x128xf32, #tpu.memory_space<hbm>>
    %dma_wait3A_17 = tpu.memref_slice %arg7[%dma_wait3A_9] : memref<4x!tpu.dma_semaphore, #tpu.memory_space<semaphore_mem>> -> memref<1x!tpu.dma_semaphore, #tpu.memory_space<semaphore_mem>>
    %dma_wait3A_18 = tpu.memref_squeeze %dma_wait3A_17 : memref<1x!tpu.dma_semaphore, #tpu.memory_space<semaphore_mem>> -> memref<!tpu.dma_semaphore, #tpu.memory_space<semaphore_mem>>
    %dma_wait3A_19 = arith.constant 0 : i32
    %dma_wait3A_20 = arith.constant 0 : i32
    %dma_wait3A_21 = tpu.memref_slice %arg6[%dma_wait3A, %dma_wait3A_19, %dma_wait3A_20] : memref<4x160x128xf32, #tpu.memory_space<vmem>> -> memref<1x160x128xf32, #tpu.memory_space<vmem>>
    %dma_wait3A_22 = tpu.memref_squeeze %dma_wait3A_21 : memref<1x160x128xf32, #tpu.memory_space<vmem>> -> memref<160x128xf32, #tpu.memory_space<vmem>>
    %dma_wait3A_23 = arith.constant 0 : i32
    %dma_wait3A_24 = arith.constant 0 : i32
    %dma_wait3A_25 = tpu.memref_slice %arg3[%dma_wait3A_23, %dma_wait3A_24] : memref<1015808x128xf32, #tpu.memory_space<hbm>> -> memref<160x128xf32, #tpu.memory_space<hbm>>
    tpu.wait_dma2 semaphore(%dma_wait3A_18 : memref<!tpu.dma_semaphore, #tpu.memory_space<semaphore_mem>>) src(%dma_wait3A_25 : memref<160x128xf32, #tpu.memory_space<hbm>>) dst(%dma_wait3A_22 : memref<160x128xf32, #tpu.memory_space<vmem>>)
    %add3A_26 = arith.constant 9920 : i32
    %add3A_27 = arith.addi %mul3A_2, %add3A_26 : i32
    %dma_start3A = arith.constant 2 : i32
    %dma_start3A_28 = arith.constant 2 : i32
    %dma_start3A_29 = arith.constant 0 : i32
    %dma_start3A_30 = arith.constant 0 : i32
    %dma_start3A_31 = tpu.memref_slice %arg6[%dma_start3A, %dma_start3A_29, %dma_start3A_30] : memref<4x160x128xf32, #tpu.memory_space<vmem>> -> memref<1x160x64xf32, #tpu.memory_space<vmem>>
    %dma_start3A_32 = tpu.memref_squeeze %dma_start3A_31 : memref<1x160x64xf32, #tpu.memory_space<vmem>> -> memref<160x64xf32, #tpu.memory_space<vmem>>
    %dma_start3A_33 = arith.constant 0 : i32
    %dma_start3A_34 = tpu.memref_slice %arg4[%add3A_27, %dma_start3A_33] : memref<327680x64xf32, #tpu.memory_space<hbm>> -> memref<160x64xf32, #tpu.memory_space<hbm>>
    %dma_start3A_35 = tpu.memref_slice %arg8[%dma_start3A_28] : memref<4x!tpu.dma_semaphore, #tpu.memory_space<semaphore_mem>> -> memref<1x!tpu.dma_semaphore, #tpu.memory_space<semaphore_mem>>
    %dma_start3A_36 = tpu.memref_squeeze %dma_start3A_35 : memref<1x!tpu.dma_semaphore, #tpu.memory_space<semaphore_mem>> -> memref<!tpu.dma_semaphore, #tpu.memory_space<semaphore_mem>>
    %dma_start3A_37 = arith.constant 0 : i32
    %dma_start3A_38 = tpu.memref_slice %arg4[%add3A_27, %dma_start3A_37] : memref<327680x64xf32, #tpu.memory_space<hbm>> -> memref<160x64xf32, #tpu.memory_space<hbm>>
    %dma_start3A_39 = arith.constant 0 : i32
    %dma_start3A_40 = arith.constant 0 : i32
    %dma_start3A_41 = tpu.memref_slice %arg6[%dma_start3A, %dma_start3A_39, %dma_start3A_40] : memref<4x160x128xf32, #tpu.memory_space<vmem>> -> memref<1x160x64xf32, #tpu.memory_space<vmem>>
    %dma_start3A_42 = tpu.memref_squeeze %dma_start3A_41 : memref<1x160x64xf32, #tpu.memory_space<vmem>> -> memref<160x64xf32, #tpu.memory_space<vmem>>
    tpu.enqueue_dma source(%dma_start3A_42 : memref<160x64xf32, #tpu.memory_space<vmem>>) target(%dma_start3A_38 : memref<160x64xf32, #tpu.memory_space<hbm>>) target_semaphore(%dma_start3A_36 : memref<!tpu.dma_semaphore, #tpu.memory_space<semaphore_mem>>)
    %dma_wait3A_43 = arith.constant 3 : i32
    %dma_wait3A_44 = arith.constant 3 : i32
    %dma_wait3A_45 = arith.constant 0 : i32
    %dma_wait3A_46 = arith.constant 0 : i32
    %dma_wait3A_47 = tpu.memref_slice %arg6[%dma_wait3A_43, %dma_wait3A_45, %dma_wait3A_46] : memref<4x160x128xf32, #tpu.memory_space<vmem>> -> memref<1x160x128xf32, #tpu.memory_space<vmem>>
    %dma_wait3A_48 = tpu.memref_squeeze %dma_wait3A_47 : memref<1x160x128xf32, #tpu.memory_space<vmem>> -> memref<160x128xf32, #tpu.memory_space<vmem>>
    %dma_wait3A_49 = arith.constant 0 : i32
    %dma_wait3A_50 = arith.constant 0 : i32
    %dma_wait3A_51 = tpu.memref_slice %arg3[%dma_wait3A_49, %dma_wait3A_50] : memref<1015808x128xf32, #tpu.memory_space<hbm>> -> memref<160x128xf32, #tpu.memory_space<hbm>>
    %dma_wait3A_52 = tpu.memref_slice %arg7[%dma_wait3A_44] : memref<4x!tpu.dma_semaphore, #tpu.memory_space<semaphore_mem>> -> memref<1x!tpu.dma_semaphore, #tpu.memory_space<semaphore_mem>>
    %dma_wait3A_53 = tpu.memref_squeeze %dma_wait3A_52 : memref<1x!tpu.dma_semaphore, #tpu.memory_space<semaphore_mem>> -> memref<!tpu.dma_semaphore, #tpu.memory_space<semaphore_mem>>
    %dma_wait3A_54 = arith.constant 0 : i32
    %dma_wait3A_55 = arith.constant 0 : i32
    %dma_wait3A_56 = tpu.memref_slice %arg6[%dma_wait3A_43, %dma_wait3A_54, %dma_wait3A_55] : memref<4x160x128xf32, #tpu.memory_space<vmem>> -> memref<1x160x128xf32, #tpu.memory_space<vmem>>
    %dma_wait3A_57 = tpu.memref_squeeze %dma_wait3A_56 : memref<1x160x128xf32, #tpu.memory_space<vmem>> -> memref<160x128xf32, #tpu.memory_space<vmem>>
    %dma_wait3A_58 = arith.constant 0 : i32
    %dma_wait3A_59 = arith.constant 0 : i32
    %dma_wait3A_60 = tpu.memref_slice %arg3[%dma_wait3A_58, %dma_wait3A_59] : memref<1015808x128xf32, #tpu.memory_space<hbm>> -> memref<160x128xf32, #tpu.memory_space<hbm>>
    tpu.wait_dma2 semaphore(%dma_wait3A_53 : memref<!tpu.dma_semaphore, #tpu.memory_space<semaphore_mem>>) src(%dma_wait3A_60 : memref<160x128xf32, #tpu.memory_space<hbm>>) dst(%dma_wait3A_57 : memref<160x128xf32, #tpu.memory_space<vmem>>)
    %add3A_61 = arith.constant 10080 : i32
    %add3A_62 = arith.addi %mul3A_2, %add3A_61 : i32
    %dma_start3A_63 = arith.constant 3 : i32
    %dma_start3A_64 = arith.constant 3 : i32
    %dma_start3A_65 = arith.constant 0 : i32
    %dma_start3A_66 = arith.constant 0 : i32
    %dma_start3A_67 = tpu.memref_slice %arg6[%dma_start3A_63, %dma_start3A_65, %dma_start3A_66] : memref<4x160x128xf32, #tpu.memory_space<vmem>> -> memref<1x160x64xf32, #tpu.memory_space<vmem>>
    %dma_start3A_68 = tpu.memref_squeeze %dma_start3A_67 : memref<1x160x64xf32, #tpu.memory_space<vmem>> -> memref<160x64xf32, #tpu.memory_space<vmem>>
    %dma_start3A_69 = arith.constant 0 : i32
    %dma_start3A_70 = tpu.memref_slice %arg4[%add3A_62, %dma_start3A_69] : memref<327680x64xf32, #tpu.memory_space<hbm>> -> memref<160x64xf32, #tpu.memory_space<hbm>>
    %dma_start3A_71 = tpu.memref_slice %arg8[%dma_start3A_64] : memref<4x!tpu.dma_semaphore, #tpu.memory_space<semaphore_mem>> -> memref<1x!tpu.dma_semaphore, #tpu.memory_space<semaphore_mem>>
    %dma_start3A_72 = tpu.memref_squeeze %dma_start3A_71 : memref<1x!tpu.dma_semaphore, #tpu.memory_space<semaphore_mem>> -> memref<!tpu.dma_semaphore, #tpu.memory_space<semaphore_mem>>
    %dma_start3A_73 = arith.constant 0 : i32
    %dma_start3A_74 = tpu.memref_slice %arg4[%add3A_62, %dma_start3A_73] : memref<327680x64xf32, #tpu.memory_space<hbm>> -> memref<160x64xf32, #tpu.memory_space<hbm>>
    %dma_start3A_75 = arith.constant 0 : i32
    %dma_start3A_76 = arith.constant 0 : i32
    %dma_start3A_77 = tpu.memref_slice %arg6[%dma_start3A_63, %dma_start3A_75, %dma_start3A_76] : memref<4x160x128xf32, #tpu.memory_space<vmem>> -> memref<1x160x64xf32, #tpu.memory_space<vmem>>
    %dma_start3A_78 = tpu.memref_squeeze %dma_start3A_77 : memref<1x160x64xf32, #tpu.memory_space<vmem>> -> memref<160x64xf32, #tpu.memory_space<vmem>>
    tpu.enqueue_dma source(%dma_start3A_78 : memref<160x64xf32, #tpu.memory_space<vmem>>) target(%dma_start3A_74 : memref<160x64xf32, #tpu.memory_space<hbm>>) target_semaphore(%dma_start3A_72 : memref<!tpu.dma_semaphore, #tpu.memory_space<semaphore_mem>>)
    %add3A_79 = arith.constant 9600 : i32
    %add3A_80 = arith.addi %mul3A_2, %add3A_79 : i32
    %dma_wait3A_81 = arith.constant 0 : i32
    %dma_wait3A_82 = arith.constant 0 : i32
    %dma_wait3A_83 = arith.constant 0 : i32
    %dma_wait3A_84 = arith.constant 0 : i32
    %dma_wait3A_85 = tpu.memref_slice %arg6[%dma_wait3A_81, %dma_wait3A_83, %dma_wait3A_84] : memref<4x160x128xf32, #tpu.memory_space<vmem>> -> memref<1x160x64xf32, #tpu.memory_space<vmem>>
    %dma_wait3A_86 = tpu.memref_squeeze %dma_wait3A_85 : memref<1x160x64xf32, #tpu.memory_space<vmem>> -> memref<160x64xf32, #tpu.memory_space<vmem>>
    %dma_wait3A_87 = arith.constant 0 : i32
    %dma_wait3A_88 = tpu.memref_slice %arg4[%add3A_80, %dma_wait3A_87] : memref<327680x64xf32, #tpu.memory_space<hbm>> -> memref<160x64xf32, #tpu.memory_space<hbm>>
    %dma_wait3A_89 = tpu.memref_slice %arg8[%dma_wait3A_82] : memref<4x!tpu.dma_semaphore, #tpu.memory_space<semaphore_mem>> -> memref<1x!tpu.dma_semaphore, #tpu.memory_space<semaphore_mem>>
    %dma_wait3A_90 = tpu.memref_squeeze %dma_wait3A_89 : memref<1x!tpu.dma_semaphore, #tpu.memory_space<semaphore_mem>> -> memref<!tpu.dma_semaphore, #tpu.memory_space<semaphore_mem>>
    %dma_wait3A_91 = arith.constant 0 : i32
    %dma_wait3A_92 = tpu.memref_slice %arg4[%add3A_80, %dma_wait3A_91] : memref<327680x64xf32, #tpu.memory_space<hbm>> -> memref<160x64xf32, #tpu.memory_space<hbm>>
    %dma_wait3A_93 = arith.constant 0 : i32
    %dma_wait3A_94 = arith.constant 0 : i32
    %dma_wait3A_95 = tpu.memref_slice %arg6[%dma_wait3A_81, %dma_wait3A_93, %dma_wait3A_94] : memref<4x160x128xf32, #tpu.memory_space<vmem>> -> memref<1x160x64xf32, #tpu.memory_space<vmem>>
    %dma_wait3A_96 = tpu.memref_squeeze %dma_wait3A_95 : memref<1x160x64xf32, #tpu.memory_space<vmem>> -> memref<160x64xf32, #tpu.memory_space<vmem>>
    tpu.wait_dma2 semaphore(%dma_wait3A_90 : memref<!tpu.dma_semaphore, #tpu.memory_space<semaphore_mem>>) src(%dma_wait3A_96 : memref<160x64xf32, #tpu.memory_space<vmem>>) dst(%dma_wait3A_92 : memref<160x64xf32, #tpu.memory_space<hbm>>)
    %add3A_97 = arith.constant 9760 : i32
    %add3A_98 = arith.addi %mul3A_2, %add3A_97 : i32
    %dma_wait3A_99 = arith.constant 1 : i32
    %dma_wait3A_100 = arith.constant 1 : i32
    %dma_wait3A_101 = arith.constant 0 : i32
    %dma_wait3A_102 = arith.constant 0 : i32
    %dma_wait3A_103 = tpu.memref_slice %arg6[%dma_wait3A_99, %dma_wait3A_101, %dma_wait3A_102] : memref<4x160x128xf32, #tpu.memory_space<vmem>> -> memref<1x160x64xf32, #tpu.memory_space<vmem>>
    %dma_wait3A_104 = tpu.memref_squeeze %dma_wait3A_103 : memref<1x160x64xf32, #tpu.memory_space<vmem>> -> memref<160x64xf32, #tpu.memory_space<vmem>>
    %dma_wait3A_105 = arith.constant 0 : i32
    %dma_wait3A_106 = tpu.memref_slice %arg4[%add3A_98, %dma_wait3A_105] : memref<327680x64xf32, #tpu.memory_space<hbm>> -> memref<160x64xf32, #tpu.memory_space<hbm>>
    %dma_wait3A_107 = tpu.memref_slice %arg8[%dma_wait3A_100] : memref<4x!tpu.dma_semaphore, #tpu.memory_space<semaphore_mem>> -> memref<1x!tpu.dma_semaphore, #tpu.memory_space<semaphore_mem>>
    %dma_wait3A_108 = tpu.memref_squeeze %dma_wait3A_107 : memref<1x!tpu.dma_semaphore, #tpu.memory_space<semaphore_mem>> -> memref<!tpu.dma_semaphore, #tpu.memory_space<semaphore_mem>>
    %dma_wait3A_109 = arith.constant 0 : i32
    %dma_wait3A_110 = tpu.memref_slice %arg4[%add3A_98, %dma_wait3A_109] : memref<327680x64xf32, #tpu.memory_space<hbm>> -> memref<160x64xf32, #tpu.memory_space<hbm>>
    %dma_wait3A_111 = arith.constant 0 : i32
    %dma_wait3A_112 = arith.constant 0 : i32
    %dma_wait3A_113 = tpu.memref_slice %arg6[%dma_wait3A_99, %dma_wait3A_111, %dma_wait3A_112] : memref<4x160x128xf32, #tpu.memory_space<vmem>> -> memref<1x160x64xf32, #tpu.memory_space<vmem>>
    %dma_wait3A_114 = tpu.memref_squeeze %dma_wait3A_113 : memref<1x160x64xf32, #tpu.memory_space<vmem>> -> memref<160x64xf32, #tpu.memory_space<vmem>>
    tpu.wait_dma2 semaphore(%dma_wait3A_108 : memref<!tpu.dma_semaphore, #tpu.memory_space<semaphore_mem>>) src(%dma_wait3A_114 : memref<160x64xf32, #tpu.memory_space<vmem>>) dst(%dma_wait3A_110 : memref<160x64xf32, #tpu.memory_space<hbm>>)
    %add3A_115 = arith.constant 9920 : i32
    %add3A_116 = arith.addi %mul3A_2, %add3A_115 : i32
    %dma_wait3A_117 = arith.constant 2 : i32
    %dma_wait3A_118 = arith.constant 2 : i32
    %dma_wait3A_119 = arith.constant 0 : i32
    %dma_wait3A_120 = arith.constant 0 : i32
    %dma_wait3A_121 = tpu.memref_slice %arg6[%dma_wait3A_117, %dma_wait3A_119, %dma_wait3A_120] : memref<4x160x128xf32, #tpu.memory_space<vmem>> -> memref<1x160x64xf32, #tpu.memory_space<vmem>>
    %dma_wait3A_122 = tpu.memref_squeeze %dma_wait3A_121 : memref<1x160x64xf32, #tpu.memory_space<vmem>> -> memref<160x64xf32, #tpu.memory_space<vmem>>
    %dma_wait3A_123 = arith.constant 0 : i32
    %dma_wait3A_124 = tpu.memref_slice %arg4[%add3A_116, %dma_wait3A_123] : memref<327680x64xf32, #tpu.memory_space<hbm>> -> memref<160x64xf32, #tpu.memory_space<hbm>>
    %dma_wait3A_125 = tpu.memref_slice %arg8[%dma_wait3A_118] : memref<4x!tpu.dma_semaphore, #tpu.memory_space<semaphore_mem>> -> memref<1x!tpu.dma_semaphore, #tpu.memory_space<semaphore_mem>>
    %dma_wait3A_126 = tpu.memref_squeeze %dma_wait3A_125 : memref<1x!tpu.dma_semaphore, #tpu.memory_space<semaphore_mem>> -> memref<!tpu.dma_semaphore, #tpu.memory_space<semaphore_mem>>
    %dma_wait3A_127 = arith.constant 0 : i32
    %dma_wait3A_128 = tpu.memref_slice %arg4[%add3A_116, %dma_wait3A_127] : memref<327680x64xf32, #tpu.memory_space<hbm>> -> memref<160x64xf32, #tpu.memory_space<hbm>>
    %dma_wait3A_129 = arith.constant 0 : i32
    %dma_wait3A_130 = arith.constant 0 : i32
    %dma_wait3A_131 = tpu.memref_slice %arg6[%dma_wait3A_117, %dma_wait3A_129, %dma_wait3A_130] : memref<4x160x128xf32, #tpu.memory_space<vmem>> -> memref<1x160x64xf32, #tpu.memory_space<vmem>>
    %dma_wait3A_132 = tpu.memref_squeeze %dma_wait3A_131 : memref<1x160x64xf32, #tpu.memory_space<vmem>> -> memref<160x64xf32, #tpu.memory_space<vmem>>
    tpu.wait_dma2 semaphore(%dma_wait3A_126 : memref<!tpu.dma_semaphore, #tpu.memory_space<semaphore_mem>>) src(%dma_wait3A_132 : memref<160x64xf32, #tpu.memory_space<vmem>>) dst(%dma_wait3A_128 : memref<160x64xf32, #tpu.memory_space<hbm>>)
    %add3A_133 = arith.constant 10080 : i32
    %add3A_134 = arith.addi %mul3A_2, %add3A_133 : i32
    %dma_wait3A_135 = arith.constant 3 : i32
    %dma_wait3A_136 = arith.constant 3 : i32
    %dma_wait3A_137 = arith.constant 0 : i32
    %dma_wait3A_138 = arith.constant 0 : i32
    %dma_wait3A_139 = tpu.memref_slice %arg6[%dma_wait3A_135, %dma_wait3A_137, %dma_wait3A_138] : memref<4x160x128xf32, #tpu.memory_space<vmem>> -> memref<1x160x64xf32, #tpu.memory_space<vmem>>
    %dma_wait3A_140 = tpu.memref_squeeze %dma_wait3A_139 : memref<1x160x64xf32, #tpu.memory_space<vmem>> -> memref<160x64xf32, #tpu.memory_space<vmem>>
    %dma_wait3A_141 = arith.constant 0 : i32
    %dma_wait3A_142 = tpu.memref_slice %arg4[%add3A_134, %dma_wait3A_141] : memref<327680x64xf32, #tpu.memory_space<hbm>> -> memref<160x64xf32, #tpu.memory_space<hbm>>
    %dma_wait3A_143 = tpu.memref_slice %arg8[%dma_wait3A_136] : memref<4x!tpu.dma_semaphore, #tpu.memory_space<semaphore_mem>> -> memref<1x!tpu.dma_semaphore, #tpu.memory_space<semaphore_mem>>
    %dma_wait3A_144 = tpu.memref_squeeze %dma_wait3A_143 : memref<1x!tpu.dma_semaphore, #tpu.memory_space<semaphore_mem>> -> memref<!tpu.dma_semaphore, #tpu.memory_space<semaphore_mem>>
    %dma_wait3A_145 = arith.constant 0 : i32
    %dma_wait3A_146 = tpu.memref_slice %arg4[%add3A_134, %dma_wait3A_145] : memref<327680x64xf32, #tpu.memory_space<hbm>> -> memref<160x64xf32, #tpu.memory_space<hbm>>
    %dma_wait3A_147 = arith.constant 0 : i32
    %dma_wait3A_148 = arith.constant 0 : i32
    %dma_wait3A_149 = tpu.memref_slice %arg6[%dma_wait3A_135, %dma_wait3A_147, %dma_wait3A_148] : memref<4x160x128xf32, #tpu.memory_space<vmem>> -> memref<1x160x64xf32, #tpu.memory_space<vmem>>
    %dma_wait3A_150 = tpu.memref_squeeze %dma_wait3A_149 : memref<1x160x64xf32, #tpu.memory_space<vmem>> -> memref<160x64xf32, #tpu.memory_space<vmem>>
    tpu.wait_dma2 semaphore(%dma_wait3A_144 : memref<!tpu.dma_semaphore, #tpu.memory_space<semaphore_mem>>) src(%dma_wait3A_150 : memref<160x64xf32, #tpu.memory_space<vmem>>) dst(%dma_wait3A_146 : memref<160x64xf32, #tpu.memory_space<hbm>>)
    return
  }
}

module attributes {stable_mosaic.version = 14 : i64} {
  func.func @_transpose_body(%arg0: i32, %arg1: memref<64x16384xf32, #tpu.memory_space<vmem>>, %arg2: memref<16384x128xf32, #tpu.memory_space<vmem>>) attributes {dimension_semantics = [#tpu.dimension_semantics<arbitrary>], iteration_bounds = array<i64: 62>, scalar_prefetch = 0 : i64, scratch_operands = 0 : i64, tpu.core_type = #tpu.core_type<tc>, window_params = [{transform_indices = @transform_0, window_bounds = array<i64: 64, 16384>}, {transform_indices = @transform_1, window_bounds = array<i64: 16384, 128>}]} {
    %get3A = arith.constant 0 : index
    %get3A_0 = arith.constant 0 : index
    %get3A_1 = vector.load %arg1[%get3A, %get3A_0] : memref<64x16384xf32, #tpu.memory_space<vmem>>, vector<64x16384xf32>
    %transpose3A = tpu.transpose %get3A_1, [1, 0] : vector<64x16384xf32> -> vector<16384x64xf32>
    %concatenate3A = tpu.concatenate %transpose3A, %transpose3A in 1 : vector<16384x64xf32>, vector<16384x64xf32> -> vector<16384x128xf32>
    %swap3A = arith.constant 0 : index
    %swap3A_2 = arith.constant 0 : index
    %swap3A_3 = vector.load %arg2[%swap3A, %swap3A_2] : memref<16384x128xf32, #tpu.memory_space<vmem>>, vector<16384x128xf32>
    tpu.vector_store %arg2[%swap3A, %swap3A_2], %concatenate3A {strides = array<i32>} : memref<16384x128xf32, #tpu.memory_space<vmem>>, vector<16384x128xf32>,
    return
  }
  func.func @transform_0(%arg0: i32) -> (i32, i32) {
    %c0_i32 = arith.constant 0 : i32
    %c0_i32_0 = arith.constant 0 : i32
    return %c0_i32, %arg0 : i32, i32
  }
  func.func @transform_1(%arg0: i32) -> (i32, i32) {
    %c0_i32 = arith.constant 0 : i32
    %c0_i32_0 = arith.constant 0 : i32
    return %arg0, %c0_i32 : i32, i32
  }
}

</mosaic_0001>

<sc_bundles>
// kernel: kernel.4.cloned.1.call-start
scs
__scs_entry_jumppad:
0x0: {  	(pc) =	sbr.rel $0x88, $3  }
0x1: {  	(tag) =	ssettag $0x0;
	lr =	simm.s32 $0x1  }
0x2: {  	[smem:$0x3F9F] =	sst lr;
	_ =	strace $0xD0000000  }
0x3: {  	_ = 	snop  }
0x4: {  	_ = 	snop  }
0x5: {  	_ = 	snop  }
0x6: {  	_ = 	snop  }
0x7: {  	_ = 	snop  }
__scs_overlays_trampoline_lowered:
0x8: {  	[smem:$0x3FAE] =	sst s0  }
0x9: {  	[smem:$0x3FAF] =	sst s1  }
0xa: {  	[smem:$0x3FB0] =	sst s2  }
0xb: {  	[smem:$0x3FB1] =	sst s3  }
0xc: {  	[smem:$0x3FB2] =	sst s4  }
0xd: {  	[smem:$0x3FB3] =	sst s5  }
0xe: {  	[smem:$0x3FB4] =	sst s6  }
0xf: {  	[smem:$0x3FB5] =	sst s7  }
0x10: {  	[smem:$0x3FB6] =	sst s8  }
0x11: {  	[smem:$0x3FB7] =	sst s9;
	s0 =	simm.s32 @!p0 $0x0  }
0x12: {  	s1 =	sld [smem:$0x3F9D];
	s0 =	simm.s32 @p0 $0x1  }
0x13: {  	[smem:$0x3FB8] =	sst s0;
	s0 =	simm.s32 @!p1 $0x0  }
0x14: {  	s2 =	sld [smem:$0x3F9C];
	s0 =	simm.s32 @p1 $0x1  }
0x15: {  	[smem:$0x3FB9] =	sst s0;
	s0 =	simm.s32 @!p2 $0x0  }
0x16: {  	s3 =	sld [smem:$0x3FDB];
	s0 =	simm.s32 @p2 $0x1  }
0x17: {  	s4 =	simm.s32 $0x1BF5;
	[smem:$0x3FBB] =	sst s0  }
0x18: {  	s0 =	sld [smem:$0x3F9E];
	_ =	swait.ge [sflag:s4], $0x0  }
0x19: {  	s7 =	sld [smem:$0x3F9F]  }
0x1a: {  	s8 =	sadd.s32 $0xFFFFE003, lr  }
0x1b: {  	s9 =	sadd.s32 $0xFFFFFEF7, lr;
	s5 =	simm.s32 $0xFFFFFFFF;
	p2 =	slt.u32 s8, $0xFFFFF086  }
0x1c: {  	p1 =	slt.u32 s9, $0xF7A;
	s5 =	simm.s32 @!p2 $0x0  }
0x1d: {  	s5 =	simm.s32 @p1 $0x1;
	p0 =	seq.s32 s7, s2  }
0x1e: {  	s7 =	smul.u32 @!p0 $0xF7A, s2;
	p2 =	seq.s32 @!p0 s5, $0x0  }
0x1f: {  	s9 =	smul.u32 $0xF7A, s1;
	s8 =	simm.s32 @!p0 $0x1BF5;
	p2 =	por !p2, p0  }
0x20: {  	[sflag:s8] =	ssyncset.s32 @!p0 $0xFFFFF086;
	s6 =	sadd.s32 @!p0 s3, s7;
	s7 =	simm.s32 @!p0 $0x108  }
0x21: {  	s3 =	sadd.s32 s3, s9;
	s6 =	sadd.s32 @!p0 $0x88, s6;
	s7 =	simm.s32 @p2 $0x1082  }
0x22: {  	[simem:s7], [sflag:s8] =	dma.local @!p0 [hbm:s6], $0xF7A  }
0x23: {  	s9 =	sor.u32 $0xD0000000, s2;
	s6 =	simm.s32 $0x108;
	_ =	swait.ge @!p0 [sflag:s8], $0x0  }
0x24: {  	s3 =	sadd.s32 $0x88, s3;
	s6 =	simm.s32 @!p1 $0x1082;
	[sflag:s4] =	ssyncset.s32 $0xFFFFF086  }
0x25: {  	[simem:s6], [sflag:s4] =	dma.local [hbm:s3], $0xF7A  }
0x26: {  	[smem:$0x3F9F] =	sst s1;
	(tag) =	ssettag s2;
	_ =	strace s9  }
0x27: {  	s1 =	sld [smem:$0x3FAF]  }
0x28: {  	s2 =	sld [smem:$0x3FB0]  }
0x29: {  	s4 =	sld [smem:$0x3FB2]  }
0x2a: {  	p0 =	seq.s32 s5, $0x0;
	s5 =	sld [smem:$0x3FB3]  }
0x2b: {  	s6 =	sld [smem:$0x3FB4]  }
0x2c: {  	s7 =	sld [smem:$0x3FB5]  }
0x2d: {  	s3 =	simm.s32 $0x108;
	s8 =	sld [smem:$0x3FB6]  }
0x2e: {  	s3 =	simm.s32 @!p0 $0x1082;
	s9 =	sld [smem:$0x3FB7]  }
0x2f: {  	lr =	sadd.s32 s0, s3;
	s0 =	sld [smem:$0x3FAE]  }
0x30: {  	s3 =	sld [smem:$0x3FB1]  }
0x31: {  	[smem:$0x3FBA] =	sst s10  }
0x32: {  	s10 =	sld [smem:$0x3FB8];
	_ =	sdelay $0x3  }
0x33: {  	p0 =	seq.s32 s10, $0x1;
	s10 =	sld [smem:$0x3FBA];
	_ =	sdelay $0x3  }
0x34: {  	[smem:$0x3FBA] =	sst s10  }
0x35: {  	s10 =	sld [smem:$0x3FB9];
	_ =	sdelay $0x3  }
0x36: {  	p1 =	seq.s32 s10, $0x1;
	s10 =	sld [smem:$0x3FBA];
	_ =	sdelay $0x3  }
0x37: {  	[smem:$0x3FBA] =	sst s10  }
0x38: {  	s10 =	sld [smem:$0x3FBB]  }
0x39: {  	_ = 	snop;
	(pc) =	sbr.ind lr, $3  }
0x3a: {  	_ = 	snop  }
0x3b: {  	_ = 	snop  }
0x3c: {  	p2 =	seq.s32 s10, $0x1;
	s10 =	sld [smem:$0x3FBA]  }
0x3d: {  	_ =	shalt  }
0x3e: {  	_ =	shalt  }
0x3f: {  	_ =	shalt  }
0x40: {  	_ =	shalt  }
0x41: {  	_ =	shalt  }
0x42: {  	_ =	shalt  }
0x43: {  	_ =	shalt  }
0x44: {  	_ =	shalt  }
0x45: {  	_ =	shalt  }
0x46: {  	_ =	shalt  }
0x47: {  	_ =	shalt  }
0x48: {  	_ =	shalt  }
0x49: {  	_ =	shalt  }
0x4a: {  	_ =	shalt  }
0x4b: {  	_ =	shalt  }
0x4c: {  	_ =	shalt  }
0x4d: {  	_ =	shalt  }
0x4e: {  	_ =	shalt  }
0x4f: {  	_ =	shalt  }
0x50: {  	_ =	shalt  }
0x51: {  	_ =	shalt  }
0x52: {  	_ =	shalt  }
0x53: {  	_ =	shalt  }
0x54: {  	_ =	shalt  }
0x55: {  	_ =	shalt  }
0x56: {  	_ =	shalt  }
0x57: {  	_ =	shalt  }
0x58: {  	_ =	shalt  }
0x59: {  	_ =	shalt  }
0x5a: {  	_ =	shalt  }
0x5b: {  	_ =	shalt  }
0x5c: {  	_ =	shalt  }
0x5d: {  	_ =	shalt  }
0x5e: {  	_ =	shalt  }
0x5f: {  	_ =	shalt  }
0x60: {  	_ =	shalt  }
0x61: {  	_ =	shalt  }
0x62: {  	_ =	shalt  }
0x63: {  	_ =	shalt  }
0x64: {  	_ =	shalt  }
0x65: {  	_ =	shalt  }
0x66: {  	_ =	shalt  }
0x67: {  	_ =	shalt  }
0x68: {  	_ =	shalt  }
0x69: {  	_ =	shalt  }
0x6a: {  	_ =	shalt  }
0x6b: {  	_ =	shalt  }
0x6c: {  	_ =	shalt  }
0x6d: {  	_ =	shalt  }
0x6e: {  	_ =	shalt  }
0x6f: {  	_ =	shalt  }
0x70: {  	_ =	shalt  }
0x71: {  	_ =	shalt  }
0x72: {  	_ =	shalt  }
0x73: {  	_ =	shalt  }
0x74: {  	_ =	shalt  }
0x75: {  	_ =	shalt  }
0x76: {  	_ =	shalt  }
0x77: {  	_ =	shalt  }
0x78: {  	_ =	shalt  }
0x79: {  	_ =	shalt  }
0x7a: {  	_ =	shalt  }
0x7b: {  	_ =	shalt  }
0x7c: {  	_ =	shalt  }
0x7d: {  	_ =	shalt  }
0x7e: {  	_ =	shalt  }
0x7f: {  	_ =	shalt  }
0x80: {  	_ =	shalt  }
0x81: {  	_ =	shalt  }
0x82: {  	_ =	shalt  }
0x83: {  	_ =	shalt  }
0x84: {  	_ =	shalt  }
0x85: {  	_ =	shalt  }
0x86: {  	_ =	shalt  }
0x87: {  	_ =	shalt  }
.Lfunc_end0:
.L_simem_size_0:
called_computation.1_lowered:
.L_overlay_start_0:
0x88: {  	s2 =	sld [smem:$0x3FD9]  }
0x89: {  	s3 =	sld [smem:$0x3FFE];
	_ =	sdelay $0x1  }
0x8a: {  	s1 =	srdreg.scid  }
0x8b: {  	s0 =	sand.u32 $0x1, s1  }
0x8c: {  	s17 =	sshll.u32 s0, $0xA;
	s2 =	sadd.s32 s3, s2  }
0x8d: {  	s2 =	sadd.s32 s2, s17  }
0x8e: {  	[smem:$0x3FC6] =	sst s2  }
0x8f: {  	_ = 	snop  }
0x90: {  	s2 =	sld [smem:$0x3FD0];
	(tm) =	ssettm $0x1  }
0x91: {  	s18 =	sld [smem:$0x3FFB];
	_ =	sdelay $0x3  }
0x92: {  	_ =	strace s18  }
0x93: {  	s3 =	sld [smem:$0x3FFC];
	_ =	sdelay $0x3  }
0x94: {  	_ =	strace s3  }
0x95: {  	s3 =	sld [smem:$0x3FFD];
	_ =	sdelay $0x3  }
0x96: {  	_ =	strace s3  }
0x97: {  	_ =	strace $0x8FFFFFFF  }
0x98: {  	s19 =	sld [smem:$0x3FDB];
	_ =	sdelay $0x1  }
0x99: {  	s4 =	simm.s32 $_scs_section_size  }
0x9a: {  	s5 =	simm.s32 $_size__tile_overlayer_lowered;
	s6 =	simm.s32 $_tile_overlayer_lowered  }
0x9b: {  	s22 =	simm.s32 $0x1BFF;
	s21 =	sshll.u32 s6, $0x1;
	s3 =	sadd.s32 s4, s19  }
0x9c: {  	s7 =	simm.s32 $0x0;
	s20 =	sshll.u32 s5, $0x1;
	s5 =	sadd.s32 s21, s3  }
0x9d: {  	[timem:s7], [sflag:s22] =	dma.local [hbm:s5], s20  }
0x9e: {  	_ =	swait.ge [sflag:s22], s20  }
0x9f: {  	s4 =	ssub.s32 $0x0, s20;
	[sflag:s22] =	ssyncset.done $0x0  }
0xa0: {  	[sflag:s22] =	ssyncadd.s32 s4;
	_ =	sdelay $0x1  }
0xa1: {  	s23 =	simm.s32 $0x1B8B  }
0xa2: {  	_ =	swait.ge [sflag:s23], $0x1  }
0xa3: {  	[sflag:s23] =	ssyncset.done $0x0  }
0xa4: {  	s25 =	simm.s32 $0x1B8E;
	s24 =	sld [smem:$0x3FFE];
	[sflag:s23] =	ssyncadd.s32 $0xFFFFFFFF  }
0xa5: {  	s26 =	simm.s32 $execute0_lowered;
	[smem:$0x3FD2] =	sst s25  }
0xa6: {  	s5 =	sshll.u32 s26, $0x1;
	_ =	strace $0x80000046;
	[dreg:$0x1] =	wrdreg $0xFFFFFFFF  }
0xa7: {  	s28 =	simm.s32 $_size_execute0_lowered;
	s3 =	sadd.s32 s3, s5;
	[dreg:$0x0] =	wrdreg $0x0  }
0xa8: {  	s5 =	sshll.u32 s28, $0x1;
	[dreg:$0x2] =	wrdreg s3  }
0xa9: {  	[dreg:$0x3] =	wrdreg s5  }
0xaa: {  	[dreg:$0x4] =	wrdreg $0xC0  }
0xab: {  	_ =	task [dreg:s7], $0x5FFFF  }
0xac: {  	[dreg:$0x1] =	wrdreg $0xFFFFFFFF  }
0xad: {  	[dreg:$0x0] =	wrdreg $0x60  }
0xae: {  	[dreg:$0x2] =	wrdreg s24  }
0xaf: {  	[dreg:$0x3] =	wrdreg s2  }
0xb0: {  	[dreg:$0x4] =	wrdreg $0x9  }
0xb1: {  	_ =	task.clear_ibuf [dreg:s7], $0x5FFFF;
	_ =	strace $0x90000046  }
0xb2: {  	s29 =	simm.s32 $0x9;
	_ =	strace $0x80000048  }
0xb3: {  	_ =	swait.ge [sflag:s29], $0x1  }
0xb4: {  	[sflag:s29] =	ssyncadd.s32 $0xFFFFFFFF  }
0xb5: {  	_ =	strace $0x90000048  }
0xb6: {  	_ =	sfence  }
0xb7: {  	s30 =	sld [smem:$0x0];
	_ =	sdelay $0x2  }
0xb8: {  	s31 =	sshll.u32 s1, $0xD;
	s1 =	sshrl.u32 s1, $0x2  }
0xb9: {  	s3 =	sand.u32 $0x4000, s31;
	s1 =	sadd.s32 s1, s30  }
0xba: {  	s0 =	sor.u32 s3, s0;
	s1 =	sshll.u32 s1, $0x11  }
0xbb: {  	s0 =	sor.u32 s1, s0  }
0xbc: {  	s0 =	sadd.s32 $0x8F2B, s0  }
0xbd: {  	[sflag:s0] =	ssyncadd.remote.s32 $0x1  }
0xbe: {  	_ =	sfence.sel $0xFFFF  }
0xbf: {  	[dreg:$0x0] =	wrdreg $0xFFFFFFFF;
	(pc) =	sbr.abs _section_cstart, $3  }
0xc0: {  	[dreg:$0x1] =	wrdreg $0xFFFFFFFF  }
0xc1: {  	_ =	task.clear_ibuf [dreg:s7], $0x2FFFF;
	_ =	strace $0x9FFFFFFF  }
0xc2: {  	(tm) =	ssettm $0x7FFFFFFF  }
0xc3: {  	_ =	shalt  }
tec
execute0_lowered:
.L_overlay_start_1:
0x0: {  	(tag) =	ssettag $0x1  }
0x1: {  	s0 =	rddreg [dreg:$0x0];
	s1 =	srdreg.scid  }
0x2: {  	s3 =	stileid.u32;
	s2 =	rddreg [dreg:$0x1]  }
0x3: {  	s13 =	simm.s32 $0x14;
	s16 =	simm.s32 $0x1;
	s18 =	simm.s32 $0x12A00  }
0x4: {  	s19 =	simm.s32 $0x13400;
	s20 =	simm.s32 $0x13E00;
	s21 =	simm.s32 $0x14800  }
0x5: {  	s22 =	simm.s32 $0x15200;
	s23 =	simm.s32 $0x15C00;
	s24 =	simm.s32 $0x16600  }
0x6: {  	s25 =	simm.s32 $0x2;
	s1 =	sand.u32 $0x1, s1;
	s4 =	sshll.u32 s3, $0x1  }
0x7: {  	s28 =	simm.s32 $0x4;
	s29 =	simm.s32 $0x6;
	s4 =	sor.u32 s1, s4  }
0x8: {  	s30 =	simm.s32 $0x7;
	s3 =	simm.s32 $0x0;
	s5 =	smul.u32 $0x600, s4  }
0x9: {  	[smem:$0x7FF] =	sst s3;
	s1 =	ssub.s32 $0x2, s1;
	s6 =	smul.u32 $0xA0000, s4  }
0xa: {  	_ =	strace $0x80000047;
	s4 =	smul.u32 $0x2800, s4;
	s26 =	sshrl.u32 s1, $0x1  }
0xb: {  	s7 =	sadd.s32 s5, s0;
	s5 =	sadd.s32 $0xC800, s0;
	s8 =	sshrl.u32 s6, $0x3  }
0xc: {  	s0 =	ssub.s32 s1, s26;
	s6 =	sadd.s32 $0x3FFFEC0, s4;
	s26 =	simm.s32 $0x3  }
0xd: {  	s31 =	sadd.s32 s2, s8;
	s7 =	sadd.s32 $0x800, s7;
	s8 =	sadd.s32 $0x3FFFF60, s4  }
0xe: {  	s0 =	smax.u32 s0, $0x1;
	[dreg:$0x3] =	wrdreg s7;
	s9 =	sadd.s32 $0x13600, s31  }
0xf: {  	s10 =	sadd.s32 $0x13B00, s31;
	[dreg:$0x4] =	wrdreg s0;
	s7 =	simm.s32 $0x0  }
.LBB2_1:
0x10: {  	[dreg:$0x5] =	wrdreg s7  }
0x11: {  	s0 =	rddreg [dreg:$0x3];
	s17 =	simm.s32 $0x9  }
0x12: {  	[tilespmem:s3], [sflag:$0x9] =	stream.linear.gather [hbm4b:s0+s3], $0x3000, $0x38;
	[tilespmem:$0x17000] =	vst v63  }
0x13: {  	_ =	swait.ge [sflag:s17], $0x3000  }
0x14: {  	[sflag:s17] =	ssyncset.done $0x0  }
0x15: {  	s31 =	simm.s32 $0x0;
	[sflag:s17] =	ssyncadd.s32 $0xFFFFD000  }
.LBB2_2:
0x16: {  	p0 =	seq.s32 s31, $0x0  }
0x17: {  	s0 =	simm.s32 @!p0 $0x5  }
0x18: {  	s1 =	smul.u32 $0xC00, s31;
	_ =	swait.ge @!p0 [sflag:s0], $0x2800  }
0x19: {  	[sflag:s0] =	ssyncset.done @!p0 $0x0  }
0x1a: {  	s15 =	simm.s32 $0x3000;
	s1 =	sshra.s32 s1, $0x2;
	[sflag:s0] =	ssyncadd.s32 @!p0 $0xFFFFD800  }
0x1b: {  	[tilespmem:s15], [sflag:$0x1] =	stream.indirect.gather [hbm4b:s5+s13], $0x80, s1, s13, $0xb8;
	[tilespmem:$0x17000] =	vst v63  }
0x1c: {  	s7 =	simm.s32 $0x3A00;
	s17 =	sor.u32 $0x18, s1  }
0x1d: {  	[tilespmem:s7], [sflag:$0x1] =	stream.indirect.gather [hbm4b:s5+s13], $0x80, s17, s13, $0xb8;
	[tilespmem:$0x17000] =	vst v63  }
0x1e: {  	s11 =	simm.s32 $0x4400;
	s7 =	sor.u32 $0x30, s1  }
0x1f: {  	[tilespmem:s11], [sflag:$0x1] =	stream.indirect.gather [hbm4b:s5+s13], $0x80, s7, s13, $0xb8;
	[tilespmem:$0x17000] =	vst v63  }
0x20: {  	s14 =	simm.s32 $0x4E00;
	s12 =	sor.u32 $0x48, s1  }
0x21: {  	[tilespmem:s14], [sflag:$0x1] =	stream.indirect.gather [hbm4b:s5+s13], $0x80, s12, s13, $0xb8;
	[tilespmem:$0x17000] =	vst v63  }
0x22: {  	s15 =	sor.u32 $0x60, s1;
	s17 =	simm.s32 $0x5800  }
0x23: {  	[tilespmem:s17], [sflag:$0x1] =	stream.indirect.gather [hbm4b:s5+s13], $0x80, s15, s13, $0xb8;
	[tilespmem:$0x17000] =	vst v63  }
0x24: {  	s7 =	sor.u32 $0x78, s1;
	s11 =	simm.s32 $0x6200  }
0x25: {  	[tilespmem:s11], [sflag:$0x1] =	stream.indirect.gather [hbm4b:s5+s13], $0x80, s7, s13, $0xb8;
	[tilespmem:$0x17000] =	vst v63  }
.Ltmp0:
0x26: {  	_ = 	snop;
	(pc) =	sbr.rel @p0 .LBB2_3-.Ltmp0, $4  }
0x27: {  	s12 =	sor.u32 $0x90, s1;
	s14 =	simm.s32 $0x6C00  }
0x28: {  	[tilespmem:s14], [sflag:$0x1] =	stream.indirect.gather [hbm4b:s5+s13], $0x80, s12, s13, $0xb8;
	[tilespmem:$0x17000] =	vst v63  }
0x29: {  	s15 =	sor.u32 $0xA8, s1;
	s17 =	simm.s32 $0x7600  }
0x2a: {  	[tilespmem:s17], [sflag:$0x1] =	stream.indirect.gather [hbm4b:s5+s13], $0x80, s15, s13, $0xb8;
	[tilespmem:$0x17000] =	vst v63  }
0x2b: {  	s0 =	smul.u32 $0x280, s31;
	_ =	sdelay $0x1  }
0x2c: {  	s0 =	sadd.s32 s0, s6  }
0x2d: {  	_ =	swait.ge [sflag:s26], $0x5000;
	s7 =	sshll.u32 s0, $0x3  }
0x2e: {  	s11 =	simm.s32 $0xD000;
	s12 =	simm.s32 $0x8;
	s7 =	sand.u32 $0x1FFFFE00, s7  }
0x2f: {  	s14 =	simm.s32 $0xD080;
	[sflag:s26] =	ssyncset.done $0x0;
	s7 =	sadd.s32 s2, s7  }
0x30: {  	[sflag:s26] =	ssyncadd.s32 $0xFFFFB000;
	s0 =	sshll.u32 s31, $0x2;
	s15 =	sadd.s32 $0x0, s7  }
.LBB2_5:
0x31: {  	[hbm4b:s15+s3] =	stream.linear.scatter [tilespmem:s11], [sflag:$0x7], $0x40, $0x38;
	[tilespmem:$0x17000] =	vst v63  }
0x32: {  	s15 =	smov.u32 s12;
	s11 =	smov.u32 s14;
	p1 =	sne.s32 s12, $0x4F8  }
.Ltmp1:
0x33: {  	s12 =	sadd.s32 $0x8, s12;
	(pc) =	sbr.rel @p1 .LBB2_5-.Ltmp1, $2  }
0x34: {  	_ =	sdelay $0x2  }
0x35: {  	s14 =	sadd.s32 $0x80, s14;
	s15 =	sadd.s32 s15, s7  }
.Ltmp2:
0x36: {  	(pc) =	sbr.rel .LBB2_7-.Ltmp2, $4  }
0x37: {  	[hbm4b:s15+s3] =	stream.linear.scatter [tilespmem:s11], [sflag:$0x7], $0x40, $0x38;
	[tilespmem:$0x17000] =	vst v63  }
0x38: {  	_ =	swait.ge [sflag:s29], $0x2800  }
0x39: {  	[sflag:s29] =	ssyncset.done $0x0  }
0x3a: {  	s0 =	sor.u32 $0x1, s0;
	[sflag:s29] =	ssyncadd.s32 $0xFFFFD800  }
.LBB2_3:
0x3b: {  	s0 =	simm.s32 $0x1  }
.LBB2_7:
0x3c: {  	s7 =	smul.u32 $0x300, s0;
	_ =	sdelay $0x1  }
0x3d: {  	s11 =	simm.s32 $0x8000;
	s7 =	sshra.s32 s7, $0x2  }
0x3e: {  	[tilespmem:s11], [sflag:$0x2] =	stream.indirect.gather [hbm4b:s5+s13], $0x80, s7, s13, $0xb8;
	[tilespmem:$0x17000] =	vst v63  }
0x3f: {  	s12 =	simm.s32 $0x8A00;
	s17 =	sor.u32 $0x18, s7  }
0x40: {  	[tilespmem:s12], [sflag:$0x2] =	stream.indirect.gather [hbm4b:s5+s13], $0x80, s17, s13, $0xb8;
	[tilespmem:$0x17000] =	vst v63  }
0x41: {  	s14 =	simm.s32 $0x9400;
	s12 =	sor.u32 $0x30, s7  }
0x42: {  	[tilespmem:s14], [sflag:$0x2] =	stream.indirect.gather [hbm4b:s5+s13], $0x80, s12, s13, $0xb8;
	[tilespmem:$0x17000] =	vst v63  }
0x43: {  	s15 =	sadd.s32 $0x48, s7;
	s17 =	simm.s32 $0x9E00  }
0x44: {  	[tilespmem:s17], [sflag:$0x2] =	stream.indirect.gather [hbm4b:s5+s13], $0x80, s15, s13, $0xb8;
	[tilespmem:$0x17000] =	vst v63  }
0x45: {  	s12 =	sadd.s32 $0x60, s7;
	s14 =	simm.s32 $0xA800  }
0x46: {  	[tilespmem:s14], [sflag:$0x2] =	stream.indirect.gather [hbm4b:s5+s13], $0x80, s12, s13, $0xb8;
	[tilespmem:$0x17000] =	vst v63  }
0x47: {  	s15 =	sadd.s32 $0x78, s7;
	s17 =	simm.s32 $0xB200  }
0x48: {  	[tilespmem:s17], [sflag:$0x2] =	stream.indirect.gather [hbm4b:s5+s13], $0x80, s15, s13, $0xb8;
	[tilespmem:$0x17000] =	vst v63  }
.Ltmp3:
0x49: {  	s14 =	sadd.s32 $0x90, s7;
	s15 =	simm.s32 $0xBC00;
	(pc) =	sbr.rel @p0 .LBB2_11-.Ltmp3, $4  }
0x4a: {  	[tilespmem:s15], [sflag:$0x2] =	stream.indirect.gather [hbm4b:s5+s13], $0x80, s14, s13, $0xb8;
	[tilespmem:$0x17000] =	vst v63  }
0x4b: {  	s7 =	sadd.s32 $0xA8, s7;
	s17 =	simm.s32 $0xC600  }
0x4c: {  	[tilespmem:s17], [sflag:$0x2] =	stream.indirect.gather [hbm4b:s5+s13], $0x80, s7, s13, $0xb8;
	[tilespmem:$0x17000] =	vst v63  }
0x4d: {  	s7 =	simm.s32 $0x0  }
0x4e: {  	s7 =	smul.u32 $0x280, s31;
	_ =	sdelay $0x1  }
0x4f: {  	s11 =	sadd.s32 s7, s8  }
0x50: {  	s11 =	sshll.u32 s11, $0x3  }
0x51: {  	_ =	swait.ge [sflag:s28], $0x5000;
	s12 =	simm.s32 $0x12000;
	s11 =	sand.u32 $0x1FFFFF00, s11  }
0x52: {  	s14 =	simm.s32 $0x8;
	[sflag:s28] =	ssyncset.done $0x0;
	s11 =	sadd.s32 s2, s11  }
0x53: {  	s15 =	simm.s32 $0x12080;
	[sflag:s28] =	ssyncadd.s32 $0xFFFFB000;
	s17 =	sadd.s32 $0x0, s11  }
.LBB2_9:
0x54: {  	[hbm4b:s17+s3] =	stream.linear.scatter [tilespmem:s12], [sflag:$0x8], $0x40, $0x38;
	[tilespmem:$0x17000] =	vst v63  }
0x55: {  	s17 =	smov.u32 s14;
	s12 =	smov.u32 s15;
	p1 =	sne.s32 s14, $0x4F8  }
.Ltmp4:
0x56: {  	s14 =	sadd.s32 $0x8, s14;
	(pc) =	sbr.rel @p1 .LBB2_9-.Ltmp4, $2  }
0x57: {  	_ =	sdelay $0x2  }
0x58: {  	s15 =	sadd.s32 $0x80, s15;
	s17 =	sadd.s32 s17, s11  }
0x59: {  	[hbm4b:s17+s3] =	stream.linear.scatter [tilespmem:s12], [sflag:$0x8], $0x40, $0x38;
	[tilespmem:$0x17000] =	vst v63  }
0x5a: {  	_ =	swait.ge [sflag:s30], $0x2800  }
0x5b: {  	[sflag:s30] =	ssyncset.done $0x0  }
0x5c: {  	[sflag:s30] =	ssyncadd.s32 $0xFFFFD800  }
.LBB2_11:
0x5d: {  	s11 =	sadd.s32 $0x180, s1;
	s12 =	simm.s32 $0xD000  }
0x5e: {  	[tilespmem:s12], [sflag:$0x3] =	stream.indirect.gather [hbm4b:s5+s13], $0x80, s11, s13, $0xb8;
	[tilespmem:$0x17000] =	vst v63  }
0x5f: {  	s15 =	sadd.s32 $0x198, s1;
	s17 =	simm.s32 $0xDA00  }
0x60: {  	[tilespmem:s17], [sflag:$0x3] =	stream.indirect.gather [hbm4b:s5+s13], $0x80, s15, s13, $0xb8;
	[tilespmem:$0x17000] =	vst v63  }
0x61: {  	s14 =	simm.s32 $0xE400;
	s12 =	sadd.s32 $0x1B0, s1  }
0x62: {  	[tilespmem:s14], [sflag:$0x3] =	stream.indirect.gather [hbm4b:s5+s13], $0x80, s12, s13, $0xb8;
	[tilespmem:$0x17000] =	vst v63  }
0x63: {  	s15 =	sadd.s32 $0x1C8, s1;
	s17 =	simm.s32 $0xEE00  }
0x64: {  	[tilespmem:s17], [sflag:$0x3] =	stream.indirect.gather [hbm4b:s5+s13], $0x80, s15, s13, $0xb8;
	[tilespmem:$0x17000] =	vst v63  }
0x65: {  	s12 =	sadd.s32 $0x1E0, s1;
	s14 =	simm.s32 $0xF800  }
0x66: {  	[tilespmem:s14], [sflag:$0x3] =	stream.indirect.gather [hbm4b:s5+s13], $0x80, s12, s13, $0xb8;
	[tilespmem:$0x17000] =	vst v63  }
0x67: {  	s15 =	sadd.s32 $0x1F8, s1;
	s17 =	simm.s32 $0x10200  }
0x68: {  	[tilespmem:s17], [sflag:$0x3] =	stream.indirect.gather [hbm4b:s5+s13], $0x80, s15, s13, $0xb8;
	[tilespmem:$0x17000] =	vst v63  }
0x69: {  	s12 =	sadd.s32 $0x210, s1;
	s14 =	simm.s32 $0x10C00  }
0x6a: {  	[tilespmem:s14], [sflag:$0x3] =	stream.indirect.gather [hbm4b:s5+s13], $0x80, s12, s13, $0xb8;
	[tilespmem:$0x17000] =	vst v63  }
0x6b: {  	s7 =	sadd.s32 s4, s7;
	s15 =	sadd.s32 $0x228, s1;
	s17 =	simm.s32 $0x11600  }
0x6c: {  	[tilespmem:s17], [sflag:$0x3] =	stream.indirect.gather [hbm4b:s5+s13], $0x80, s15, s13, $0xb8;
	[tilespmem:$0x17000] =	vst v63  }
0x6d: {  	s7 =	sshll.u32 s7, $0x3;
	s11 =	simm.s32 $0x3000;
	_ =	swait.ge [sflag:s16], $0x5000  }
0x6e: {  	s7 =	sadd.s32 s2, s7;
	s12 =	simm.s32 $0x8;
	[sflag:s16] =	ssyncset.done $0x0  }
0x6f: {  	s14 =	simm.s32 $0x3080;
	s15 =	sadd.s32 $0x0, s7;
	[sflag:s16] =	ssyncadd.s32 $0xFFFFB000  }
.LBB2_12:
0x70: {  	[hbm4b:s15+s3] =	stream.linear.scatter [tilespmem:s11], [sflag:$0x5], $0x40, $0x38;
	[tilespmem:$0x17000] =	vst v63  }
0x71: {  	s15 =	smov.u32 s12;
	s11 =	smov.u32 s14;
	p1 =	sne.s32 s12, $0x4F8  }
.Ltmp5:
0x72: {  	s12 =	sadd.s32 $0x8, s12;
	(pc) =	sbr.rel @p1 .LBB2_12-.Ltmp5, $2  }
0x73: {  	_ =	sdelay $0x2  }
0x74: {  	s14 =	sadd.s32 $0x80, s14;
	s15 =	sadd.s32 s15, s7  }
0x75: {  	[hbm4b:s15+s3] =	stream.linear.scatter [tilespmem:s11], [sflag:$0x5], $0x40, $0x38;
	[tilespmem:$0x17000] =	vst v63  }
0x76: {  	s7 =	simm.s32 @!p0 $0x8  }
0x77: {  	_ =	swait.ge @!p0 [sflag:s7], $0x2800  }
0x78: {  	[sflag:s7] =	ssyncset.done @!p0 $0x0  }
0x79: {  	s12 =	sadd.s32 $0x240, s1;
	s14 =	simm.s32 $0x12000;
	[sflag:s7] =	ssyncadd.s32 @!p0 $0xFFFFD800  }
0x7a: {  	[tilespmem:s14], [sflag:$0x4] =	stream.indirect.gather [hbm4b:s5+s13], $0x80, s12, s13, $0xb8;
	[tilespmem:$0x17000] =	vst v63  }
0x7b: {  	s15 =	sadd.s32 $0x258, s1  }
0x7c: {  	[tilespmem:s18], [sflag:$0x4] =	stream.indirect.gather [hbm4b:s5+s13], $0x80, s15, s13, $0xb8;
	[tilespmem:$0x17000] =	vst v63  }
0x7d: {  	s17 =	sadd.s32 $0x270, s1  }
0x7e: {  	[tilespmem:s19], [sflag:$0x4] =	stream.indirect.gather [hbm4b:s5+s13], $0x80, s17, s13, $0xb8;
	[tilespmem:$0x17000] =	vst v63  }
0x7f: {  	s11 =	sadd.s32 $0x288, s1  }
0x80: {  	[tilespmem:s20], [sflag:$0x4] =	stream.indirect.gather [hbm4b:s5+s13], $0x80, s11, s13, $0xb8;
	[tilespmem:$0x17000] =	vst v63  }
0x81: {  	s12 =	sadd.s32 $0x2A0, s1  }
0x82: {  	[tilespmem:s21], [sflag:$0x4] =	stream.indirect.gather [hbm4b:s5+s13], $0x80, s12, s13, $0xb8;
	[tilespmem:$0x17000] =	vst v63  }
0x83: {  	s0 =	smul.u32 $0xA0, s0;
	s14 =	sadd.s32 $0x2B8, s1  }
0x84: {  	[tilespmem:s22], [sflag:$0x4] =	stream.indirect.gather [hbm4b:s5+s13], $0x80, s14, s13, $0xb8;
	[tilespmem:$0x17000] =	vst v63  }
0x85: {  	s0 =	sadd.s32 s4, s0;
	s15 =	sadd.s32 $0x2D0, s1  }
0x86: {  	[tilespmem:s23], [sflag:$0x4] =	stream.indirect.gather [hbm4b:s5+s13], $0x80, s15, s13, $0xb8;
	[tilespmem:$0x17000] =	vst v63  }
0x87: {  	s0 =	sshll.u32 s0, $0x3;
	s17 =	sadd.s32 $0x2E8, s1  }
0x88: {  	[tilespmem:s24], [sflag:$0x4] =	stream.indirect.gather [hbm4b:s5+s13], $0x80, s17, s13, $0xb8;
	[tilespmem:$0x17000] =	vst v63  }
0x89: {  	s7 =	simm.s32 $0x8;
	s0 =	sand.u32 $0x1FFFFD00, s0;
	_ =	swait.ge [sflag:s25], $0x5000  }
0x8a: {  	s0 =	sadd.s32 s2, s0;
	s1 =	simm.s32 $0x8000;
	[sflag:s25] =	ssyncset.done $0x0  }
0x8b: {  	s11 =	simm.s32 $0x8080;
	s12 =	sadd.s32 $0x0, s0;
	[sflag:s25] =	ssyncadd.s32 $0xFFFFB000  }
.LBB2_14:
0x8c: {  	[hbm4b:s12+s3] =	stream.linear.scatter [tilespmem:s1], [sflag:$0x6], $0x40, $0x38;
	[tilespmem:$0x17000] =	vst v63  }
0x8d: {  	s12 =	smov.u32 s7;
	s1 =	smov.u32 s11;
	p0 =	sne.s32 s7, $0x4F8  }
.Ltmp6:
0x8e: {  	s7 =	sadd.s32 $0x8, s7;
	(pc) =	sbr.rel @p0 .LBB2_14-.Ltmp6, $2  }
0x8f: {  	_ =	sdelay $0x2  }
0x90: {  	s11 =	sadd.s32 $0x80, s11;
	s12 =	sadd.s32 s12, s0  }
0x91: {  	s31 =	sadd.s32 $0x1, s31  }
0x92: {  	p0 =	sne.s32 s31, $0x10  }
.Ltmp7:
0x93: {  	_ = 	snop;
	(pc) =	sbr.rel @p0 .LBB2_2-.Ltmp7, $2  }
0x94: {  	_ =	sdelay $0x2  }
0x95: {  	[hbm4b:s12+s3] =	stream.linear.scatter [tilespmem:s1], [sflag:$0x6], $0x40, $0x38;
	[tilespmem:$0x17000] =	vst v63  }
0x96: {  	_ =	swait.ge [sflag:s26], $0x5000  }
0x97: {  	s0 =	simm.s32 $0xD000;
	s1 =	simm.s32 $0x8;
	[sflag:s26] =	ssyncset.done $0x0  }
0x98: {  	s11 =	sadd.s32 $0x0, s9;
	s7 =	simm.s32 $0xD080;
	[sflag:s26] =	ssyncadd.s32 $0xFFFFB000  }
.LBB2_17:
0x99: {  	[hbm4b:s11+s3] =	stream.linear.scatter [tilespmem:s0], [sflag:$0x7], $0x40, $0x38;
	[tilespmem:$0x17000] =	vst v63  }
0x9a: {  	s11 =	smov.u32 s1;
	s0 =	smov.u32 s7;
	p0 =	sne.s32 s1, $0x4F8  }
.Ltmp8:
0x9b: {  	s1 =	sadd.s32 $0x8, s1;
	(pc) =	sbr.rel @p0 .LBB2_17-.Ltmp8, $2  }
0x9c: {  	_ =	sdelay $0x2  }
0x9d: {  	s7 =	sadd.s32 $0x80, s7;
	s11 =	sadd.s32 s11, s9  }
0x9e: {  	[hbm4b:s11+s3] =	stream.linear.scatter [tilespmem:s0], [sflag:$0x7], $0x40, $0x38;
	[tilespmem:$0x17000] =	vst v63  }
0x9f: {  	_ =	swait.ge [sflag:s28], $0x5000  }
0xa0: {  	s0 =	simm.s32 $0x12000;
	s1 =	simm.s32 $0x8;
	[sflag:s28] =	ssyncset.done $0x0  }
0xa1: {  	s11 =	sadd.s32 $0x0, s10;
	s7 =	simm.s32 $0x12080;
	[sflag:s28] =	ssyncadd.s32 $0xFFFFB000  }
.LBB2_19:
0xa2: {  	[hbm4b:s11+s3] =	stream.linear.scatter [tilespmem:s0], [sflag:$0x8], $0x40, $0x38;
	[tilespmem:$0x17000] =	vst v63  }
0xa3: {  	s11 =	smov.u32 s1;
	s0 =	smov.u32 s7;
	p0 =	sne.s32 s1, $0x4F8  }
.Ltmp9:
0xa4: {  	s1 =	sadd.s32 $0x8, s1;
	(pc) =	sbr.rel @p0 .LBB2_19-.Ltmp9, $2  }
0xa5: {  	_ =	sdelay $0x2  }
0xa6: {  	s7 =	sadd.s32 $0x80, s7;
	s11 =	sadd.s32 s11, s10  }
0xa7: {  	[hbm4b:s11+s3] =	stream.linear.scatter [tilespmem:s0], [sflag:$0x8], $0x40, $0x38;
	[tilespmem:$0x17000] =	vst v63  }
0xa8: {  	s17 =	simm.s32 $0x5  }
0xa9: {  	_ =	swait.ge [sflag:s17], $0x2800  }
0xaa: {  	[sflag:s17] =	ssyncset.done $0x0  }
0xab: {  	[sflag:s17] =	ssyncadd.s32 $0xFFFFD800  }
0xac: {  	_ =	swait.ge [sflag:s29], $0x2800  }
0xad: {  	[sflag:s29] =	ssyncset.done $0x0  }
0xae: {  	[sflag:s29] =	ssyncadd.s32 $0xFFFFD800  }
0xaf: {  	_ =	swait.ge [sflag:s30], $0x2800  }
0xb0: {  	[sflag:s30] =	ssyncset.done $0x0  }
0xb1: {  	s1 =	simm.s32 $0x8;
	[sflag:s30] =	ssyncadd.s32 $0xFFFFD800  }
0xb2: {  	_ =	swait.ge [sflag:s1], $0x2800  }
0xb3: {  	s7 =	rddreg [dreg:$0x5]  }
0xb4: {  	s31 =	rddreg [dreg:$0x4];
	s7 =	sadd.s32 $0x1, s7  }
0xb5: {  	p0 =	sne.s32 s7, s31  }
.Ltmp10:
0xb6: {  	_ = 	snop;
	(pc) =	sbr.rel @p0 .LBB2_1-.Ltmp10, $3  }
0xb7: {  	_ =	sdelay $0x1  }
0xb8: {  	[sflag:s1] =	ssyncset.done $0x0  }
0xb9: {  	[sflag:s1] =	ssyncadd.s32 $0xFFFFD800  }
0xba: {  	_ =	sfence.sel $0x180000  }
0xbb: {  	[bflag:$0x0] =	sbarrier.arrive $0xFFFF  }
0xbc: {  	_ =	strace $0x90000047  }
0xbd: {  	s0 =	stileid.u32;
	[bflag:$0x2] =	sbarrier.arrive $0xFFFF  }
0xbe: {  	p0 =	sne.s32 s0, $0x0;
	s0 =	rddreg [dreg:$0x2]  }
0xbf: {  	s0 =	sadd.s32 @!p0 $0x100000, s0  }
0xc0: {  	[sflag:s0] =	ssyncadd.tile.s32 @!p0 $0x1;
	_ =	shalt  }
.Lfunc_end2:
_tile_overlayer_lowered:
.L_overlay_start_2:
0xc1: {  	(tag) =	ssettag $0x2  }
0xc2: {  	s0 =	rddreg [dreg:$0x0];
	s2 =	stileid.u32  }
0xc3: {  	s1 =	rddreg [dreg:$0x1];
	p0 =	sne.s32 s2, $0x0  }
0xc4: {  	s3 =	rddreg [dreg:$0x2];
	[bflag:$0x3] =	sbarrier.arrive $0xFFFF;
	s2 =	simm.s32 @!p0 $0x1C09  }
0xc5: {  	[timem:s3], [sflag:s2] =	dma.local @!p0 [hbm:s0], s1  }
0xc6: {  	s0 =	simm.s32 @!p0 $0x9  }
0xc7: {  	_ =	swait.ge @!p0 [sflag:s0], s1  }
0xc8: {  	s1 =	ssub.s32 @!p0 $0x0, s1;
	[sflag:s0] =	ssyncset.done @!p0 $0x0  }
0xc9: {  	[sflag:s0] =	ssyncadd.s32 @!p0 s1  }
0xca: {  	[bflag:$0x3] =	sbarrier.arrive $0xFFFF  }
0xcb: {  	_ =	shalt  }

// kernel: sparse-core-data-format-call.cloned.1.call-start
scs
called_computation_lowered:
.L_overlay_start_0:
0x0: {  	s2 =	sld [smem:$0x3FD9]  }
0x1: {  	s3 =	sld [smem:$0x3FFE];
	_ =	sdelay $0x1  }
0x2: {  	s1 =	srdreg.scid  }
0x3: {  	s0 =	sand.u32 $0x1, s1  }
0x4: {  	s18 =	sshll.u32 s0, $0xA;
	s2 =	sadd.s32 s3, s2  }
0x5: {  	s2 =	sadd.s32 s2, s18  }
0x6: {  	[smem:$0x3FC6] =	sst s2  }
0x7: {  	_ = 	snop  }
0x8: {  	s2 =	sld [smem:$0x3FD0];
	(tm) =	ssettm $0x1  }
0x9: {  	s19 =	sld [smem:$0x3FFB];
	_ =	sdelay $0x3  }
0xa: {  	_ =	strace s19  }
0xb: {  	s3 =	sld [smem:$0x3FFC];
	_ =	sdelay $0x3  }
0xc: {  	_ =	strace s3  }
0xd: {  	s3 =	sld [smem:$0x3FFD];
	_ =	sdelay $0x3  }
0xe: {  	_ =	strace s3  }
0xf: {  	_ =	strace $0x8FFFFFFF  }
0x10: {  	s20 =	sld [smem:$0x3FDB];
	_ =	sdelay $0x1  }
0x11: {  	s4 =	simm.s32 $_scs_section_size  }
0x12: {  	s5 =	simm.s32 $_size__tile_overlayer_lowered;
	s6 =	simm.s32 $_tile_overlayer_lowered  }
0x13: {  	s23 =	simm.s32 $0x1BFF;
	s22 =	sshll.u32 s6, $0x1;
	s3 =	sadd.s32 s4, s20  }
0x14: {  	s7 =	simm.s32 $0x0;
	s21 =	sshll.u32 s5, $0x1;
	s5 =	sadd.s32 s22, s3  }
0x15: {  	[timem:s7], [sflag:s23] =	dma.local [hbm:s5], s21  }
0x16: {  	_ =	swait.ge [sflag:s23], s21  }
0x17: {  	s4 =	ssub.s32 $0x0, s21;
	[sflag:s23] =	ssyncset.done $0x0  }
0x18: {  	[sflag:s23] =	ssyncadd.s32 s4;
	_ =	sdelay $0x1  }
0x19: {  	s24 =	simm.s32 $0x1B8B  }
0x1a: {  	_ =	swait.ge [sflag:s24], $0x1  }
0x1b: {  	[sflag:s24] =	ssyncset.done $0x0  }
0x1c: {  	s26 =	simm.s32 $0x1B8E;
	s25 =	sld [smem:$0x3FFE];
	[sflag:s24] =	ssyncadd.s32 $0xFFFFFFFF  }
0x1d: {  	s27 =	simm.s32 $execute0_lowered;
	[smem:$0x3FD2] =	sst s26  }
0x1e: {  	s5 =	sshll.u32 s27, $0x1;
	_ =	strace $0x80000049;
	[dreg:$0x1] =	wrdreg $0xFFFFFFFF  }
0x1f: {  	s28 =	simm.s32 $_size_execute0_lowered;
	s3 =	sadd.s32 s3, s5;
	[dreg:$0x0] =	wrdreg $0x0  }
0x20: {  	s5 =	sshll.u32 s28, $0x1;
	[dreg:$0x2] =	wrdreg s3  }
0x21: {  	[dreg:$0x3] =	wrdreg s5  }
0x22: {  	[dreg:$0x4] =	wrdreg $0xC0  }
0x23: {  	_ =	task [dreg:s7], $0x5FFFF  }
0x24: {  	[dreg:$0x1] =	wrdreg $0xFFFFFFFF  }
0x25: {  	[dreg:$0x0] =	wrdreg $0x60  }
0x26: {  	[dreg:$0x2] =	wrdreg s25  }
0x27: {  	[dreg:$0x3] =	wrdreg s2  }
0x28: {  	[dreg:$0x4] =	wrdreg $0x9  }
0x29: {  	_ =	task.clear_ibuf [dreg:s7], $0x5FFFF;
	_ =	strace $0x90000049  }
0x2a: {  	s29 =	simm.s32 $0x9;
	_ =	strace $0x8000004B  }
0x2b: {  	_ =	swait.ge [sflag:s29], $0x1  }
0x2c: {  	[sflag:s29] =	ssyncadd.s32 $0xFFFFFFFF  }
0x2d: {  	_ =	strace $0x9000004B  }
0x2e: {  	_ =	sfence  }
0x2f: {  	s30 =	sld [smem:$0x0];
	_ =	sdelay $0x2  }
0x30: {  	s31 =	sshll.u32 s1, $0xD;
	s1 =	sshrl.u32 s1, $0x2  }
0x31: {  	s3 =	sand.u32 $0x4000, s31;
	s1 =	sadd.s32 s1, s30  }
0x32: {  	s0 =	sor.u32 s3, s0;
	s1 =	sshll.u32 s1, $0x11  }
0x33: {  	s0 =	sor.u32 s1, s0  }
0x34: {  	s0 =	sadd.s32 $0x8F2B, s0  }
0x35: {  	[sflag:s0] =	ssyncadd.remote.s32 $0x1  }
0x36: {  	_ =	sfence.sel $0xFFFF  }
0x37: {  	[dreg:$0x0] =	wrdreg $0xFFFFFFFF;
	(pc) =	sbr.abs _section_cstart, $3  }
0x38: {  	[dreg:$0x1] =	wrdreg $0xFFFFFFFF  }
0x39: {  	_ =	task.clear_ibuf [dreg:s7], $0x2FFFF;
	_ =	strace $0x9FFFFFFF  }
0x3a: {  	(tm) =	ssettm $0x7FFFFFFF  }
0x3b: {  	_ =	shalt  }
tec
execute0_lowered:
.L_overlay_start_1:
0x0: {  	(tag) =	ssettag $0x1  }
0x1: {  	s0 =	srdreg.scid  }
0x2: {  	s1 =	sshll.u32 s0, $0x4  }
0x3: {  	s0 =	stileid.u32;
	s1 =	sand.u32 $0x10, s1  }
0x4: {  	s1 =	sor.u32 s0, s1  }
0x5: {  	s6 =	rddreg [dreg:$0x0];
	s4 =	simm.s32 $0x1;
	s2 =	sshll.u32 s1, $0x7  }
0x6: {  	s7 =	simm.s32 $0x2;
	s12 =	simm.s32 $0x0;
	s1 =	ssub.s32 $0x4000, s2  }
0x7: {  	s8 =	simm.s32 $0x20000;
	s13 =	simm.s32 $0x0;
	s3 =	sand.u32 $0xF80, s1  }
0x8: {  	s9 =	simm.s32 $0x0;
	s5 =	sshrl.u32 s1, $0xC;
	p0 =	sne.s32 s3, $0x0  }
.Ltmp0:
0x9: {  	s1 =	rddreg [dreg:$0x2];
	s4 =	simm.s32 @!p0 $0x0;
	(pc) =	sbr.rel .LBB1_1-.Ltmp0, $4  }
0xa: {  	s11 =	simm.s32 $0x0;
	s3 =	rddreg [dreg:$0x1];
	s5 =	sadd.s32 s4, s5  }
0xb: {  	_ =	strace $0x8000004A;
	s4 =	simm.s32 $0x1;
	s5 =	smul.u32 $0x14, s5  }
0xc: {  	s6 =	sadd.s32 $0x800, s6;
	s10 =	smov.u32 s2;
	[sflag:s4] =	ssyncpa.u1 $0x0  }
0xd: {  	p0 =	por $0x0, $0x0;
	[sflag:s7] =	ssyncpa.u1 $0x0;
	s7 =	sor.u32 $0x1, s5  }
.LBB1_4:
0xe: {  	s16 =	sshll.u32 s13, $0x3;
	s17 =	sand.u32 $0x78, s13  }
0xf: {  	s30 =	sand.u32 $0x1F800, s13;
	s12 =	sshll.u32 s12, $0x11;
	s16 =	sand.u32 $0x3C00, s16  }
0x10: {  	[tilespmem:s15+$0x810 ss:$0x81] =	vst.msk $0xffff, v2;
	s31 =	sand.u32 $0x7, s13;
	s16 =	sor.u32 s17, s16;
	s17 =	sadd.s32 s3, s30  }
0x11: {  	[tilespmem:s15+$0x1020 ss:$0x81] =	vst.msk $0xffff, v0;
	s13 =	sshll.u32 s31, $0x12;
	s12 =	sadd.s32 s12, s17;
	s16 =	sshrl.u32 s16, $0x3  }
0x12: {  	[tilespmem:s15+$0x0 ss:$0x81] =	vst.msk $0xffff, v1;
	s13 =	sor.u32 $0x400, s13;
	s12 =	sadd.s32 s16, s12  }
0x13: {  	[hbm4b:s12+s13] =	stream.strided.scatter [tilespmem:s14], [sflag:$0x2], $0x2000, s8, s13, $0x20;
	[tilespmem:$0x8080] =	vst v63  }
.LBB1_5:
0x14: {  	s14 =	sadd.s32 $0x1, s9  }
0x15: {  	s12 =	sadd.s32 $0x1000, s10;
	s16 =	smov.u32 s10;
	p2 =	sgt.s32 s14, $0x13  }
0x16: {  	s16 =	smov.u32 @p2 s12  }
0x17: {  	s14 =	simm.s32 @p2 $0x0;
	p2 =	sgt.s32 s16, $0x3FFF  }
0x18: {  	s16 =	smov.u32 @p2 s2;
	p2 =	sne.s32 s11, s7  }
.Ltmp1:
0x19: {  	p1 =	slt.u32 s11, $0x2;
	(pc) =	sbr.rel @!p2 .LBB1_6-.Ltmp1, $4  }
0x1a: {  	s15 =	simm.s32 @!p1 $0x2  }
0x1b: {  	s13 =	smov.u32 s10;
	p0 =	por !p0, !p0;
	_ =	swait.ge @!p1 [sflag:s15], $0x2000  }
0x1c: {  	s12 =	smov.u32 s9;
	[sflag:s15] =	ssyncset.done @!p1 $0x0;
	s9 =	smov.u32 s14  }
0x1d: {  	s11 =	sadd.s32 $0x1, s11;
	[sflag:s15] =	ssyncadd.s32 @!p1 $0xFFFFE000;
	s10 =	smov.u32 s16  }
.LBB1_1:
0x1e: {  	p1 =	sge.u32 s11, s5  }
0x1f: {  	s14 =	sand.u32 @!p1 $0x1FFFFFF, s9  }
0x20: {  	s15 =	smulhi.u32 @!p1 $0xAAAAAAB, s14;
	_ =	sdelay $0x1  }
0x21: {  	s15 =	smul.u32 @!p1 $0x18, s15  }
0x22: {  	s16 =	sxor.u32 @!p1 $0xFFFFFFFF, s11;
	s17 =	smul.u32 @!p1 $0x180, s10  }
0x23: {  	s31 =	sadd.s32 $0xFFFFFFFF, s11;
	s16 =	sshll.u32 @!p1 s16, $0xD;
	s14 =	ssub.s32 @!p1 s14, s15  }
0x24: {  	s15 =	sand.u32 @!p1 $0x2000, s16;
	s16 =	sadd.s32 @!p1 s6, s17;
	s14 =	sshll.u32 @!p1 s14, $0x4  }
0x25: {  	s17 =	simm.s32 @!p1 $0xC00;
	s14 =	sadd.s32 @!p1 s14, s16;
	s16 =	simm.s32 @!p1 $0x40  }
0x26: {  	[tilespmem:s15], [sflag:$0x1] =	stream.strided.gather @!p1 [hbm4b:s14+s16], $0x2000, s17, s16, $0x38;
	[tilespmem:$0x8080] =	vst v63  }
0x27: {  	p1 =	sge.u32 s31, s5  }
.Ltmp2:
0x28: {  	_ = 	snop;
	(pc) =	sbr.rel @p1 .LBB1_5-.Ltmp2, $1  }
0x29: {  	_ =	sdelay $0x3  }
0x2a: {  	s14 =	simm.s32 $0x1  }
0x2b: {  	_ =	swait.ge [sflag:s4], $0x2000;
	s14 =	simm.s32 @!p0 $0x0  }
0x2c: {  	[sflag:s4] =	ssyncset.done $0x0;
	s15 =	sshll.u32 s14, $0xD  }
0x2d: {  	[sflag:s4] =	ssyncadd.s32 $0xFFFFE000;
	s18 =	sor.u32 $0x20, s15  }
0x2e: {  	s14 =	smul.u32 $0x8100, s14;
	v3 =	vld [tilespmem:s18+$0x10]  }
0x2f: {  	s30 =	sand.u32 $0x1, s11;
	v2 =	vld [tilespmem:s18+$0xFFFFFFF0]  }
0x30: {  	s15 =	smul.u32 $0x8100, s30;
	s14 =	sshrl.u32 s14, $0x2;
	v0 =	vld [tilespmem:s18+$0x0]  }
0x31: {  	v1 =	vld [tilespmem:s18+$0xFFFFFFE0];
	s16 =	sor.u32 $0x4000, s14  }
0x32: {  	s31 =	sshrl.u32 s15, $0x2;
	s15 =	sadd.s32 $0x0, s16  }
0x33: {  	s17 =	simm.s32 $0x4;
	s18 =	sadd.s32 $0x40, s18;
	s14 =	sor.u32 $0x4000, s31;
	[tilespmem:s15+$0x1830 ss:$0x81] =	vst.msk $0xffff, v3  }
.LBB1_3:
0x34: {  	v3 =	vld [tilespmem:s18+$0x10];
	p1 =	sne.s32 s17, $0x1FC;
	[tilespmem:s15+$0x810 ss:$0x81] =	vst.msk $0xffff, v2;
	s19 =	smov.u32 s17;
	s17 =	sadd.s32 $0x4, s17  }
.Ltmp3:
0x35: {  	v2 =	vld [tilespmem:s18+$0xFFFFFFF0];
	[tilespmem:s15+$0x1020 ss:$0x81] =	vst.msk $0xffff, v0;
	(pc) =	sbr.rel @p1 .LBB1_3-.Ltmp3, $4  }
0x36: {  	v0 =	vld [tilespmem:s18+$0x0];
	[tilespmem:s15+$0x0 ss:$0x81] =	vst.msk $0xffff, v1  }
0x37: {  	s15 =	sshra.s32 s19, $0x2;
	v1 =	vld [tilespmem:s18+$0xFFFFFFE0]  }
0x38: {  	s15 =	sadd.s32 s15, s16  }
0x39: {  	s18 =	sadd.s32 $0x40, s18;
	[tilespmem:s15+$0x1830 ss:$0x81] =	vst.msk $0xffff, v3  }
.Ltmp4:
0x3a: {  	_ = 	snop;
	(pc) =	sbr.rel .LBB1_4-.Ltmp4, $1  }
0x3b: {  	_ =	sdelay $0x3  }
.LBB1_6:
0x3c: {  	_ =	sfence.sel $0x180000  }
0x3d: {  	s2 =	simm.s32 $0x1;
	[bflag:$0x0] =	sbarrier.arrive $0xFFFF  }
0x3e: {  	s31 =	simm.s32 $0x2;
	[sflag:s2] =	ssyncpa.u1 $0x1  }
0x3f: {  	[sflag:s31] =	ssyncpa.u1 $0x1  }
0x40: {  	p0 =	sne.s32 s0, $0x0;
	_ =	strace $0x9000004A  }
0x41: {  	s0 =	sadd.s32 @!p0 $0x100000, s1;
	[bflag:$0x2] =	sbarrier.arrive $0xFFFF  }
0x42: {  	[sflag:s0] =	ssyncadd.tile.s32 @!p0 $0x1;
	_ =	shalt  }
.Lfunc_end1:
_tile_overlayer_lowered:
.L_overlay_start_2:
0x43: {  	(tag) =	ssettag $0x2  }
0x44: {  	s0 =	rddreg [dreg:$0x0];
	s2 =	stileid.u32  }
0x45: {  	s1 =	rddreg [dreg:$0x1];
	p0 =	sne.s32 s2, $0x0  }
0x46: {  	s3 =	rddreg [dreg:$0x2];
	[bflag:$0x3] =	sbarrier.arrive $0xFFFF;
	s2 =	simm.s32 @!p0 $0x1C01  }
0x47: {  	[timem:s3], [sflag:s2] =	dma.local @!p0 [hbm:s0], s1  }
0x48: {  	s0 =	simm.s32 @!p0 $0x1  }
0x49: {  	_ =	swait.ge @!p0 [sflag:s0], s1  }
0x4a: {  	s1 =	ssub.s32 @!p0 $0x0, s1;
	[sflag:s0] =	ssyncset.done @!p0 $0x0  }
0x4b: {  	[sflag:s0] =	ssyncadd.s32 @!p0 s1  }
0x4c: {  	[bflag:$0x3] =	sbarrier.arrive $0xFFFF  }
0x4d: {  	_ =	shalt  }

</sc_bundles>
